<compile_context>
chip_gen: v7x
topology: tpu7x:2x2x1
jax: 0.10.2.dev20260603
libtpu: 0.0.44.dev20260713+nightly
codegen_flags: <defaults>
</compile_context>

<pallas_src>
import functools

import jax
import jax.numpy as jnp
from jax import lax
from jax.experimental import pallas as pl
from jax.experimental.pallas import tpu as pltpu
from jax.experimental.pallas import tpu_sc as plsc


def _vq_codes_body(x_ref, cb_ref, codes_ref, loss_ref):
    xb = x_ref[0]
    cb = cb_ref[...]

    x_sq = jnp.sum(xb * xb, axis=0)
    c_sq = jnp.sum(cb * cb, axis=1)

    mm = lax.dot_general(cb, xb, (((1,), (0,)), ((), ())),
                         preferred_element_type=jnp.float32)
    d = (x_sq[None, :] - 2.0 * mm) + c_sq[:, None]

    mins = jnp.min(d, axis=0, keepdims=True)
    iota_c = lax.broadcasted_iota(jnp.int32, d.shape, 0)
    cand = jnp.where(d == mins, iota_c, jnp.int32(2 ** 30))
    codes = jnp.min(cand, axis=0)

    codes_ref[...] = codes.reshape(1, 1, codes.shape[0])
    loss_ref[...] = jnp.broadcast_to(jnp.sum(mins), (1, 8, 128))


def _tc_codes(x, codebook):
    batch, dim, frames = x.shape
    ncodes = codebook.shape[0]
    codes3, lossp = pl.pallas_call(
        _vq_codes_body,
        grid=(batch,),
        in_specs=[
            pl.BlockSpec((1, dim, frames), lambda b: (b, 0, 0)),
            pl.BlockSpec((ncodes, dim), lambda b: (0, 0)),
        ],
        out_specs=[
            pl.BlockSpec((1, 1, frames), lambda b: (b, 0, 0)),
            pl.BlockSpec((1, 8, 128), lambda b: (b, 0, 0)),
        ],
        out_shape=[
            jax.ShapeDtypeStruct((batch, 1, frames), jnp.int32),
            jax.ShapeDtypeStruct((batch, 8, 128), jnp.float32),
        ],
    )(x, codebook)
    return codes3.reshape(batch, frames), lossp


def _sc_gather(cbT_flat, codes_flat, batch, dim, frames):
    NC, NS, L = 2, 16, 16
    NW = NC * NS
    DG = dim // NW
    CH = frames // L
    mesh = plsc.VectorSubcoreMesh(core_axis_name="c", subcore_axis_name="s")

    @functools.partial(
        pl.kernel, mesh=mesh,
        out_type=jax.ShapeDtypeStruct((batch * dim * frames,), jnp.float32),
        scratch_types=[
            pltpu.VMEM((DG * frames,), jnp.float32),
            pltpu.VMEM((frames,), jnp.int32),
            pltpu.VMEM((DG * frames,), jnp.float32),
        ],
        compiler_params=pltpu.CompilerParams(needs_layout_passes=False),
    )
    def k(cbT_hbm, codes_hbm, out_hbm, cbt_v, codes_v, rows_v):
        wid = lax.axis_index("s") * NC + lax.axis_index("c")
        dbase = wid * DG
        pltpu.sync_copy(cbT_hbm.at[pl.ds(dbase * frames, DG * frames)], cbt_v)

        def per_batch(b, carry):
            pltpu.sync_copy(codes_hbm.at[pl.ds(b * frames, frames)], codes_v)

            def chunk(j, c):
                idx = codes_v[pl.ds(j * L, L)]
                for d in range(DG):
                    vals = plsc.load_gather(cbt_v, [idx + jnp.int32(d * frames)])
                    rows_v[pl.ds(d * frames + j * L, L)] = vals
                return c

            lax.fori_loop(0, CH, chunk, 0, unroll=8)
            pltpu.sync_copy(
                rows_v,
                out_hbm.at[pl.ds(b * (dim * frames) + dbase * frames,
                                 DG * frames)])
            return carry

        lax.fori_loop(0, batch, per_batch, 0)

    return k(cbT_flat, codes_flat).reshape(batch, dim, frames)


def kernel(x, codebook):
    batch, dim, frames = x.shape
    codes, lossp = _tc_codes(x, codebook)
    cbT_flat = codebook.T.reshape(-1)
    q = _sc_gather(cbT_flat, codes.reshape(-1), batch, dim, frames)
    vq_loss = 1.25 * jnp.sum(lossp[:, 0, 0]) / (batch * dim * frames)
    return (q, codes, vq_loss)

# --- scband reference (transcript-rebuilt; emitter-appended) ---
"""Pipeline reference for scband-vector-quantizer-22514218565705 (READ-ONLY COPY).

The authoritative reference and input builder live on the scoring server;
editing this copy changes nothing except your own understanding.
"""

import jax, jax.numpy as jnp
import numpy as np


def setup_inputs(seed: int = 0) -> dict:
    key = jax.random.key(seed)
    k1, k2 = jax.random.split(key)
    x = jax.random.normal(k1, (16, 256, 1024), dtype=jnp.float32)
    codebook = jax.random.normal(k2, (1024, 256), dtype=jnp.float32) * 0.02
    return {"x": x, "codebook": codebook}


def reference(x, codebook):
    batch, dim, frames = x.shape
    flat = jnp.transpose(x, (0, 2, 1)).reshape(-1, dim)
    x_sq = jnp.sum(flat * flat, axis=-1, keepdims=True)
    c_sq = jnp.sum(codebook * codebook, axis=-1)
    dists = x_sq - 2.0 * (flat @ codebook.T) + c_sq
    codes = jnp.argmin(dists, axis=-1)
    quantized = jnp.take(codebook, codes, axis=0)
    commitment = jnp.mean((jax.lax.stop_gradient(quantized) - flat) ** 2)
    codebook_loss = jnp.mean((quantized - jax.lax.stop_gradient(flat)) ** 2)
    vq_loss = codebook_loss + 0.25 * commitment
    quantized_st = flat + jax.lax.stop_gradient(quantized - flat)
    quantized_st = jnp.transpose(quantized_st.reshape(batch, frames, dim), (0, 2, 1))
    codes = codes.reshape(batch, frames)
    return (quantized_st, codes, vq_loss)

if __name__ == "__main__":
    import jax
    _d = setup_inputs()
    print(jax.jit(kernel)(*tuple(_d.values())))

</pallas_src>

<mosaic_0001>
#map = affine_map<(d0, d1) -> (0)>
module attributes {stable_mosaic.version = 14 : i64} {
  func.func @k(%arg0: i32, %arg1: i32, %arg2: memref<262144xf32, #tpu.memory_space<hbm>>, %arg3: memref<16384xi32, #tpu.memory_space<hbm>>, %arg4: memref<4194304xf32, #tpu.memory_space<hbm>>, %arg5: memref<8192xf32, #tpu.memory_space<vmem>>, %arg6: memref<1024xi32, #tpu.memory_space<vmem>>, %arg7: memref<8192xf32, #tpu.memory_space<vmem>>) attributes {dimension_semantics = [#tpu.dimension_semantics<core_parallel>, #tpu.dimension_semantics<subcore_parallel>], iteration_bounds = array<i64: 2, 16>, scalar_prefetch = 0 : i64, scratch_operands = 3 : i64, tpu.core_type = #tpu.core_type<sc_vector_subcore>, window_params = [{transform_indices = #map}, {transform_indices = #map}, {transform_indices = #map}]} {
    %mul3A = arith.constant 2 : i32
    %mul3A_0 = arith.muli %arg1, %mul3A : i32
    %add3A = arith.addi %mul3A_0, %arg0 : i32
    %mul3A_1 = arith.constant 8 : i32
    %mul3A_2 = arith.muli %add3A, %mul3A_1 : i32
    %mul3A_3 = arith.constant 1024 : i32
    %mul3A_4 = arith.muli %mul3A_2, %mul3A_3 : i32
    "tpu.region"() ({
      %run_scoped3A = tpu.sem_alloc : memref<!tpu.dma_semaphore, #tpu.memory_space<semaphore_mem>>
      %dma_start3A = tpu.memref_slice %arg2[%mul3A_4] : memref<262144xf32, #tpu.memory_space<hbm>> -> memref<8192xf32, #tpu.memory_space<hbm>>
      %dma_start3A_10 = tpu.memref_slice %arg2[%mul3A_4] : memref<262144xf32, #tpu.memory_space<hbm>> -> memref<8192xf32, #tpu.memory_space<hbm>>
      tpu.enqueue_dma source(%dma_start3A_10 : memref<8192xf32, #tpu.memory_space<hbm>>) target(%arg5 : memref<8192xf32, #tpu.memory_space<vmem>>) target_semaphore(%run_scoped3A : memref<!tpu.dma_semaphore, #tpu.memory_space<semaphore_mem>>)
      %dma_wait3A = tpu.memref_slice %arg2[%mul3A_4] : memref<262144xf32, #tpu.memory_space<hbm>> -> memref<8192xf32, #tpu.memory_space<hbm>>
      %dma_wait3A_11 = tpu.memref_slice %arg2[%mul3A_4] : memref<262144xf32, #tpu.memory_space<hbm>> -> memref<8192xf32, #tpu.memory_space<hbm>>
      tpu.wait_dma2 semaphore(%run_scoped3A : memref<!tpu.dma_semaphore, #tpu.memory_space<semaphore_mem>>) src(%dma_wait3A_11 : memref<8192xf32, #tpu.memory_space<hbm>>) dst(%arg5 : memref<8192xf32, #tpu.memory_space<vmem>>)
      tpu.yield
    }) : () -> ()
    %scan3A = arith.constant 0 : i32
    %scan3A_5 = arith.constant 0 : i32
    %scan3A_6 = arith.constant 16 : i32
    %scan3A_7 = arith.addi %scan3A_5, %scan3A_6 : i32
    %scan3A_8 = arith.constant 1 : i32
    scf.for %scan3A_10 = %scan3A_5 to %scan3A_7 step %scan3A_8  : i32 {
      %mul3A_11 = arith.constant 1024 : i32
      %mul3A_12 = arith.muli %scan3A_10, %mul3A_11 : i32
      "tpu.region"() ({
        %run_scoped3A = tpu.sem_alloc : memref<!tpu.dma_semaphore, #tpu.memory_space<semaphore_mem>>
        %dma_start3A = tpu.memref_slice %arg3[%mul3A_12] : memref<16384xi32, #tpu.memory_space<hbm>> -> memref<1024xi32, #tpu.memory_space<hbm>>
        %dma_start3A_24 = tpu.memref_slice %arg3[%mul3A_12] : memref<16384xi32, #tpu.memory_space<hbm>> -> memref<1024xi32, #tpu.memory_space<hbm>>
        tpu.enqueue_dma source(%dma_start3A_24 : memref<1024xi32, #tpu.memory_space<hbm>>) target(%arg6 : memref<1024xi32, #tpu.memory_space<vmem>>) target_semaphore(%run_scoped3A : memref<!tpu.dma_semaphore, #tpu.memory_space<semaphore_mem>>)
        %dma_wait3A = tpu.memref_slice %arg3[%mul3A_12] : memref<16384xi32, #tpu.memory_space<hbm>> -> memref<1024xi32, #tpu.memory_space<hbm>>
        %dma_wait3A_25 = tpu.memref_slice %arg3[%mul3A_12] : memref<16384xi32, #tpu.memory_space<hbm>> -> memref<1024xi32, #tpu.memory_space<hbm>>
        tpu.wait_dma2 semaphore(%run_scoped3A : memref<!tpu.dma_semaphore, #tpu.memory_space<semaphore_mem>>) src(%dma_wait3A_25 : memref<1024xi32, #tpu.memory_space<hbm>>) dst(%arg6 : memref<1024xi32, #tpu.memory_space<vmem>>)
        tpu.yield
      }) : () -> ()
      %scan3A_13 = arith.constant 0 : i32
      %scan3A_14 = arith.constant 0 : i32
      %scan3A_15 = arith.constant 64 : i32
      %scan3A_16 = arith.addi %scan3A_14, %scan3A_15 : i32
      %scan3A_17 = arith.constant 8 : i32
      scf.for %scan3A_24 = %scan3A_14 to %scan3A_16 step %scan3A_17  : i32 {
        %mul3A_25 = arith.constant 16 : i32
        %mul3A_26 = arith.muli %scan3A_24, %mul3A_25 : i32
        %get3A = arith.index_cast %mul3A_26 : i32 to index
        %get3A_27 = tpu.vector_load %arg6[%get3A] {strides = array<i32>} : memref<1024xi32, #tpu.memory_space<vmem>>, vector<16xi32>,
        %add3A_28 = arith.constant 0 : i32
        %add3A_29 = vector.broadcast %add3A_28 : i32 to vector<16xi32>
        %add3A_30 = arith.addi %get3A_27, %add3A_29 : vector<16xi32>
        %gather3A = tpu.vector_load_idx %arg5[%add3A_30] : memref<8192xf32, #tpu.memory_space<vmem>>[vector<16xi32>], vector<16xf32>,
        %mul3A_31 = arith.constant 16 : i32
        %mul3A_32 = arith.muli %scan3A_24, %mul3A_31 : i32
        %add3A_33 = arith.constant 0 : i32
        %add3A_34 = arith.addi %add3A_33, %mul3A_32 : i32
        %swap3A = arith.index_cast %add3A_34 : i32 to index
        %swap3A_35 = tpu.vector_load %arg7[%swap3A] {strides = array<i32>} : memref<8192xf32, #tpu.memory_space<vmem>>, vector<16xf32>,
        tpu.vector_store %arg7[%swap3A], %gather3A {strides = array<i32>} : memref<8192xf32, #tpu.memory_space<vmem>>, vector<16xf32>,
        %add3A_36 = arith.constant 1024 : i32
        %add3A_37 = vector.broadcast %add3A_36 : i32 to vector<16xi32>
        %add3A_38 = arith.addi %get3A_27, %add3A_37 : vector<16xi32>
        %gather3A_39 = tpu.vector_load_idx %arg5[%add3A_38] : memref<8192xf32, #tpu.memory_space<vmem>>[vector<16xi32>], vector<16xf32>,
        %mul3A_40 = arith.constant 16 : i32
        %mul3A_41 = arith.muli %scan3A_24, %mul3A_40 : i32
        %add3A_42 = arith.constant 1024 : i32
        %add3A_43 = arith.addi %add3A_42, %mul3A_41 : i32
        %swap3A_44 = arith.index_cast %add3A_43 : i32 to index
        %swap3A_45 = tpu.vector_load %arg7[%swap3A_44] {strides = array<i32>} : memref<8192xf32, #tpu.memory_space<vmem>>, vector<16xf32>,
        tpu.vector_store %arg7[%swap3A_44], %gather3A_39 {strides = array<i32>} : memref<8192xf32, #tpu.memory_space<vmem>>, vector<16xf32>,
        %add3A_46 = arith.constant 2048 : i32
        %add3A_47 = vector.broadcast %add3A_46 : i32 to vector<16xi32>
        %add3A_48 = arith.addi %get3A_27, %add3A_47 : vector<16xi32>
        %gather3A_49 = tpu.vector_load_idx %arg5[%add3A_48] : memref<8192xf32, #tpu.memory_space<vmem>>[vector<16xi32>], vector<16xf32>,
        %mul3A_50 = arith.constant 16 : i32
        %mul3A_51 = arith.muli %scan3A_24, %mul3A_50 : i32
        %add3A_52 = arith.constant 2048 : i32
        %add3A_53 = arith.addi %add3A_52, %mul3A_51 : i32
        %swap3A_54 = arith.index_cast %add3A_53 : i32 to index
        %swap3A_55 = tpu.vector_load %arg7[%swap3A_54] {strides = array<i32>} : memref<8192xf32, #tpu.memory_space<vmem>>, vector<16xf32>,
        tpu.vector_store %arg7[%swap3A_54], %gather3A_49 {strides = array<i32>} : memref<8192xf32, #tpu.memory_space<vmem>>, vector<16xf32>,
        %add3A_56 = arith.constant 3072 : i32
        %add3A_57 = vector.broadcast %add3A_56 : i32 to vector<16xi32>
        %add3A_58 = arith.addi %get3A_27, %add3A_57 : vector<16xi32>
        %gather3A_59 = tpu.vector_load_idx %arg5[%add3A_58] : memref<8192xf32, #tpu.memory_space<vmem>>[vector<16xi32>], vector<16xf32>,
        %mul3A_60 = arith.constant 16 : i32
        %mul3A_61 = arith.muli %scan3A_24, %mul3A_60 : i32
        %add3A_62 = arith.constant 3072 : i32
        %add3A_63 = arith.addi %add3A_62, %mul3A_61 : i32
        %swap3A_64 = arith.index_cast %add3A_63 : i32 to index
        %swap3A_65 = tpu.vector_load %arg7[%swap3A_64] {strides = array<i32>} : memref<8192xf32, #tpu.memory_space<vmem>>, vector<16xf32>,
        tpu.vector_store %arg7[%swap3A_64], %gather3A_59 {strides = array<i32>} : memref<8192xf32, #tpu.memory_space<vmem>>, vector<16xf32>,
        %add3A_66 = arith.constant 4096 : i32
        %add3A_67 = vector.broadcast %add3A_66 : i32 to vector<16xi32>
        %add3A_68 = arith.addi %get3A_27, %add3A_67 : vector<16xi32>
        %gather3A_69 = tpu.vector_load_idx %arg5[%add3A_68] : memref<8192xf32, #tpu.memory_space<vmem>>[vector<16xi32>], vector<16xf32>,
        %mul3A_70 = arith.constant 16 : i32
        %mul3A_71 = arith.muli %scan3A_24, %mul3A_70 : i32
        %add3A_72 = arith.constant 4096 : i32
        %add3A_73 = arith.addi %add3A_72, %mul3A_71 : i32
        %swap3A_74 = arith.index_cast %add3A_73 : i32 to index
        %swap3A_75 = tpu.vector_load %arg7[%swap3A_74] {strides = array<i32>} : memref<8192xf32, #tpu.memory_space<vmem>>, vector<16xf32>,
        tpu.vector_store %arg7[%swap3A_74], %gather3A_69 {strides = array<i32>} : memref<8192xf32, #tpu.memory_space<vmem>>, vector<16xf32>,
        %add3A_76 = arith.constant 5120 : i32
        %add3A_77 = vector.broadcast %add3A_76 : i32 to vector<16xi32>
        %add3A_78 = arith.addi %get3A_27, %add3A_77 : vector<16xi32>
        %gather3A_79 = tpu.vector_load_idx %arg5[%add3A_78] : memref<8192xf32, #tpu.memory_space<vmem>>[vector<16xi32>], vector<16xf32>,
        %mul3A_80 = arith.constant 16 : i32
        %mul3A_81 = arith.muli %scan3A_24, %mul3A_80 : i32
        %add3A_82 = arith.constant 5120 : i32
        %add3A_83 = arith.addi %add3A_82, %mul3A_81 : i32
        %swap3A_84 = arith.index_cast %add3A_83 : i32 to index
        %swap3A_85 = tpu.vector_load %arg7[%swap3A_84] {strides = array<i32>} : memref<8192xf32, #tpu.memory_space<vmem>>, vector<16xf32>,
        tpu.vector_store %arg7[%swap3A_84], %gather3A_79 {strides = array<i32>} : memref<8192xf32, #tpu.memory_space<vmem>>, vector<16xf32>,
        %add3A_86 = arith.constant 6144 : i32
        %add3A_87 = vector.broadcast %add3A_86 : i32 to vector<16xi32>
        %add3A_88 = arith.addi %get3A_27, %add3A_87 : vector<16xi32>
        %gather3A_89 = tpu.vector_load_idx %arg5[%add3A_88] : memref<8192xf32, #tpu.memory_space<vmem>>[vector<16xi32>], vector<16xf32>,
        %mul3A_90 = arith.constant 16 : i32
        %mul3A_91 = arith.muli %scan3A_24, %mul3A_90 : i32
        %add3A_92 = arith.constant 6144 : i32
        %add3A_93 = arith.addi %add3A_92, %mul3A_91 : i32
        %swap3A_94 = arith.index_cast %add3A_93 : i32 to index
        %swap3A_95 = tpu.vector_load %arg7[%swap3A_94] {strides = array<i32>} : memref<8192xf32, #tpu.memory_space<vmem>>, vector<16xf32>,
        tpu.vector_store %arg7[%swap3A_94], %gather3A_89 {strides = array<i32>} : memref<8192xf32, #tpu.memory_space<vmem>>, vector<16xf32>,
        %add3A_96 = arith.constant 7168 : i32
        %add3A_97 = vector.broadcast %add3A_96 : i32 to vector<16xi32>
        %add3A_98 = arith.addi %get3A_27, %add3A_97 : vector<16xi32>
        %gather3A_99 = tpu.vector_load_idx %arg5[%add3A_98] : memref<8192xf32, #tpu.memory_space<vmem>>[vector<16xi32>], vector<16xf32>,
        %mul3A_100 = arith.constant 16 : i32
        %mul3A_101 = arith.muli %scan3A_24, %mul3A_100 : i32
        %add3A_102 = arith.constant 7168 : i32
        %add3A_103 = arith.addi %add3A_102, %mul3A_101 : i32
        %swap3A_104 = arith.index_cast %add3A_103 : i32 to index
        %swap3A_105 = tpu.vector_load %arg7[%swap3A_104] {strides = array<i32>} : memref<8192xf32, #tpu.memory_space<vmem>>, vector<16xf32>,
        tpu.vector_store %arg7[%swap3A_104], %gather3A_99 {strides = array<i32>} : memref<8192xf32, #tpu.memory_space<vmem>>, vector<16xf32>,
        %scan3A_106 = arith.constant 1 : i32
        %scan3A_107 = arith.addi %scan3A_24, %scan3A_106 : i32
        %mul3A_108 = arith.constant 16 : i32
        %mul3A_109 = arith.muli %scan3A_107, %mul3A_108 : i32
        %get3A_110 = arith.index_cast %mul3A_109 : i32 to index
        %get3A_111 = tpu.vector_load %arg6[%get3A_110] {strides = array<i32>} : memref<1024xi32, #tpu.memory_space<vmem>>, vector<16xi32>,
        %add3A_112 = arith.constant 0 : i32
        %add3A_113 = vector.broadcast %add3A_112 : i32 to vector<16xi32>
        %add3A_114 = arith.addi %get3A_111, %add3A_113 : vector<16xi32>
        %gather3A_115 = tpu.vector_load_idx %arg5[%add3A_114] : memref<8192xf32, #tpu.memory_space<vmem>>[vector<16xi32>], vector<16xf32>,
        %mul3A_116 = arith.constant 16 : i32
        %mul3A_117 = arith.muli %scan3A_107, %mul3A_116 : i32
        %add3A_118 = arith.constant 0 : i32
        %add3A_119 = arith.addi %add3A_118, %mul3A_117 : i32
        %swap3A_120 = arith.index_cast %add3A_119 : i32 to index
        %swap3A_121 = tpu.vector_load %arg7[%swap3A_120] {strides = array<i32>} : memref<8192xf32, #tpu.memory_space<vmem>>, vector<16xf32>,
        tpu.vector_store %arg7[%swap3A_120], %gather3A_115 {strides = array<i32>} : memref<8192xf32, #tpu.memory_space<vmem>>, vector<16xf32>,
        %add3A_122 = arith.constant 1024 : i32
        %add3A_123 = vector.broadcast %add3A_122 : i32 to vector<16xi32>
        %add3A_124 = arith.addi %get3A_111, %add3A_123 : vector<16xi32>
        %gather3A_125 = tpu.vector_load_idx %arg5[%add3A_124] : memref<8192xf32, #tpu.memory_space<vmem>>[vector<16xi32>], vector<16xf32>,
        %mul3A_126 = arith.constant 16 : i32
        %mul3A_127 = arith.muli %scan3A_107, %mul3A_126 : i32
        %add3A_128 = arith.constant 1024 : i32
        %add3A_129 = arith.addi %add3A_128, %mul3A_127 : i32
        %swap3A_130 = arith.index_cast %add3A_129 : i32 to index
        %swap3A_131 = tpu.vector_load %arg7[%swap3A_130] {strides = array<i32>} : memref<8192xf32, #tpu.memory_space<vmem>>, vector<16xf32>,
        tpu.vector_store %arg7[%swap3A_130], %gather3A_125 {strides = array<i32>} : memref<8192xf32, #tpu.memory_space<vmem>>, vector<16xf32>,
        %add3A_132 = arith.constant 2048 : i32
        %add3A_133 = vector.broadcast %add3A_132 : i32 to vector<16xi32>
        %add3A_134 = arith.addi %get3A_111, %add3A_133 : vector<16xi32>
        %gather3A_135 = tpu.vector_load_idx %arg5[%add3A_134] : memref<8192xf32, #tpu.memory_space<vmem>>[vector<16xi32>], vector<16xf32>,
        %mul3A_136 = arith.constant 16 : i32
        %mul3A_137 = arith.muli %scan3A_107, %mul3A_136 : i32
        %add3A_138 = arith.constant 2048 : i32
        %add3A_139 = arith.addi %add3A_138, %mul3A_137 : i32
        %swap3A_140 = arith.index_cast %add3A_139 : i32 to index
        %swap3A_141 = tpu.vector_load %arg7[%swap3A_140] {strides = array<i32>} : memref<8192xf32, #tpu.memory_space<vmem>>, vector<16xf32>,
        tpu.vector_store %arg7[%swap3A_140], %gather3A_135 {strides = array<i32>} : memref<8192xf32, #tpu.memory_space<vmem>>, vector<16xf32>,
        %add3A_142 = arith.constant 3072 : i32
        %add3A_143 = vector.broadcast %add3A_142 : i32 to vector<16xi32>
        %add3A_144 = arith.addi %get3A_111, %add3A_143 : vector<16xi32>
        %gather3A_145 = tpu.vector_load_idx %arg5[%add3A_144] : memref<8192xf32, #tpu.memory_space<vmem>>[vector<16xi32>], vector<16xf32>,
        %mul3A_146 = arith.constant 16 : i32
        %mul3A_147 = arith.muli %scan3A_107, %mul3A_146 : i32
        %add3A_148 = arith.constant 3072 : i32
        %add3A_149 = arith.addi %add3A_148, %mul3A_147 : i32
        %swap3A_150 = arith.index_cast %add3A_149 : i32 to index
        %swap3A_151 = tpu.vector_load %arg7[%swap3A_150] {strides = array<i32>} : memref<8192xf32, #tpu.memory_space<vmem>>, vector<16xf32>,
        tpu.vector_store %arg7[%swap3A_150], %gather3A_145 {strides = array<i32>} : memref<8192xf32, #tpu.memory_space<vmem>>, vector<16xf32>,
        %add3A_152 = arith.constant 4096 : i32
        %add3A_153 = vector.broadcast %add3A_152 : i32 to vector<16xi32>
        %add3A_154 = arith.addi %get3A_111, %add3A_153 : vector<16xi32>
        %gather3A_155 = tpu.vector_load_idx %arg5[%add3A_154] : memref<8192xf32, #tpu.memory_space<vmem>>[vector<16xi32>], vector<16xf32>,
        %mul3A_156 = arith.constant 16 : i32
        %mul3A_157 = arith.muli %scan3A_107, %mul3A_156 : i32
        %add3A_158 = arith.constant 4096 : i32
        %add3A_159 = arith.addi %add3A_158, %mul3A_157 : i32
        %swap3A_160 = arith.index_cast %add3A_159 : i32 to index
        %swap3A_161 = tpu.vector_load %arg7[%swap3A_160] {strides = array<i32>} : memref<8192xf32, #tpu.memory_space<vmem>>, vector<16xf32>,
        tpu.vector_store %arg7[%swap3A_160], %gather3A_155 {strides = array<i32>} : memref<8192xf32, #tpu.memory_space<vmem>>, vector<16xf32>,
        %add3A_162 = arith.constant 5120 : i32
        %add3A_163 = vector.broadcast %add3A_162 : i32 to vector<16xi32>
        %add3A_164 = arith.addi %get3A_111, %add3A_163 : vector<16xi32>
        %gather3A_165 = tpu.vector_load_idx %arg5[%add3A_164] : memref<8192xf32, #tpu.memory_space<vmem>>[vector<16xi32>], vector<16xf32>,
        %mul3A_166 = arith.constant 16 : i32
        %mul3A_167 = arith.muli %scan3A_107, %mul3A_166 : i32
        %add3A_168 = arith.constant 5120 : i32
        %add3A_169 = arith.addi %add3A_168, %mul3A_167 : i32
        %swap3A_170 = arith.index_cast %add3A_169 : i32 to index
        %swap3A_171 = tpu.vector_load %arg7[%swap3A_170] {strides = array<i32>} : memref<8192xf32, #tpu.memory_space<vmem>>, vector<16xf32>,
        tpu.vector_store %arg7[%swap3A_170], %gather3A_165 {strides = array<i32>} : memref<8192xf32, #tpu.memory_space<vmem>>, vector<16xf32>,
        %add3A_172 = arith.constant 6144 : i32
        %add3A_173 = vector.broadcast %add3A_172 : i32 to vector<16xi32>
        %add3A_174 = arith.addi %get3A_111, %add3A_173 : vector<16xi32>
        %gather3A_175 = tpu.vector_load_idx %arg5[%add3A_174] : memref<8192xf32, #tpu.memory_space<vmem>>[vector<16xi32>], vector<16xf32>,
        %mul3A_176 = arith.constant 16 : i32
        %mul3A_177 = arith.muli %scan3A_107, %mul3A_176 : i32
        %add3A_178 = arith.constant 6144 : i32
        %add3A_179 = arith.addi %add3A_178, %mul3A_177 : i32
        %swap3A_180 = arith.index_cast %add3A_179 : i32 to index
        %swap3A_181 = tpu.vector_load %arg7[%swap3A_180] {strides = array<i32>} : memref<8192xf32, #tpu.memory_space<vmem>>, vector<16xf32>,
        tpu.vector_store %arg7[%swap3A_180], %gather3A_175 {strides = array<i32>} : memref<8192xf32, #tpu.memory_space<vmem>>, vector<16xf32>,
        %add3A_182 = arith.constant 7168 : i32
        %add3A_183 = vector.broadcast %add3A_182 : i32 to vector<16xi32>
        %add3A_184 = arith.addi %get3A_111, %add3A_183 : vector<16xi32>
        %gather3A_185 = tpu.vector_load_idx %arg5[%add3A_184] : memref<8192xf32, #tpu.memory_space<vmem>>[vector<16xi32>], vector<16xf32>,
        %mul3A_186 = arith.constant 16 : i32
        %mul3A_187 = arith.muli %scan3A_107, %mul3A_186 : i32
        %add3A_188 = arith.constant 7168 : i32
        %add3A_189 = arith.addi %add3A_188, %mul3A_187 : i32
        %swap3A_190 = arith.index_cast %add3A_189 : i32 to index
        %swap3A_191 = tpu.vector_load %arg7[%swap3A_190] {strides = array<i32>} : memref<8192xf32, #tpu.memory_space<vmem>>, vector<16xf32>,
        tpu.vector_store %arg7[%swap3A_190], %gather3A_185 {strides = array<i32>} : memref<8192xf32, #tpu.memory_space<vmem>>, vector<16xf32>,
        %scan3A_192 = arith.constant 2 : i32
        %scan3A_193 = arith.addi %scan3A_24, %scan3A_192 : i32
        %mul3A_194 = arith.constant 16 : i32
        %mul3A_195 = arith.muli %scan3A_193, %mul3A_194 : i32
        %get3A_196 = arith.index_cast %mul3A_195 : i32 to index
        %get3A_197 = tpu.vector_load %arg6[%get3A_196] {strides = array<i32>} : memref<1024xi32, #tpu.memory_space<vmem>>, vector<16xi32>,
        %add3A_198 = arith.constant 0 : i32
        %add3A_199 = vector.broadcast %add3A_198 : i32 to vector<16xi32>
        %add3A_200 = arith.addi %get3A_197, %add3A_199 : vector<16xi32>
        %gather3A_201 = tpu.vector_load_idx %arg5[%add3A_200] : memref<8192xf32, #tpu.memory_space<vmem>>[vector<16xi32>], vector<16xf32>,
        %mul3A_202 = arith.constant 16 : i32
        %mul3A_203 = arith.muli %scan3A_193, %mul3A_202 : i32
        %add3A_204 = arith.constant 0 : i32
        %add3A_205 = arith.addi %add3A_204, %mul3A_203 : i32
        %swap3A_206 = arith.index_cast %add3A_205 : i32 to index
        %swap3A_207 = tpu.vector_load %arg7[%swap3A_206] {strides = array<i32>} : memref<8192xf32, #tpu.memory_space<vmem>>, vector<16xf32>,
        tpu.vector_store %arg7[%swap3A_206], %gather3A_201 {strides = array<i32>} : memref<8192xf32, #tpu.memory_space<vmem>>, vector<16xf32>,
        %add3A_208 = arith.constant 1024 : i32
        %add3A_209 = vector.broadcast %add3A_208 : i32 to vector<16xi32>
        %add3A_210 = arith.addi %get3A_197, %add3A_209 : vector<16xi32>
        %gather3A_211 = tpu.vector_load_idx %arg5[%add3A_210] : memref<8192xf32, #tpu.memory_space<vmem>>[vector<16xi32>], vector<16xf32>,
        %mul3A_212 = arith.constant 16 : i32
        %mul3A_213 = arith.muli %scan3A_193, %mul3A_212 : i32
        %add3A_214 = arith.constant 1024 : i32
        %add3A_215 = arith.addi %add3A_214, %mul3A_213 : i32
        %swap3A_216 = arith.index_cast %add3A_215 : i32 to index
        %swap3A_217 = tpu.vector_load %arg7[%swap3A_216] {strides = array<i32>} : memref<8192xf32, #tpu.memory_space<vmem>>, vector<16xf32>,
        tpu.vector_store %arg7[%swap3A_216], %gather3A_211 {strides = array<i32>} : memref<8192xf32, #tpu.memory_space<vmem>>, vector<16xf32>,
        %add3A_218 = arith.constant 2048 : i32
        %add3A_219 = vector.broadcast %add3A_218 : i32 to vector<16xi32>
        %add3A_220 = arith.addi %get3A_197, %add3A_219 : vector<16xi32>
        %gather3A_221 = tpu.vector_load_idx %arg5[%add3A_220] : memref<8192xf32, #tpu.memory_space<vmem>>[vector<16xi32>], vector<16xf32>,
        %mul3A_222 = arith.constant 16 : i32
        %mul3A_223 = arith.muli %scan3A_193, %mul3A_222 : i32
        %add3A_224 = arith.constant 2048 : i32
        %add3A_225 = arith.addi %add3A_224, %mul3A_223 : i32
        %swap3A_226 = arith.index_cast %add3A_225 : i32 to index
        %swap3A_227 = tpu.vector_load %arg7[%swap3A_226] {strides = array<i32>} : memref<8192xf32, #tpu.memory_space<vmem>>, vector<16xf32>,
        tpu.vector_store %arg7[%swap3A_226], %gather3A_221 {strides = array<i32>} : memref<8192xf32, #tpu.memory_space<vmem>>, vector<16xf32>,
        %add3A_228 = arith.constant 3072 : i32
        %add3A_229 = vector.broadcast %add3A_228 : i32 to vector<16xi32>
        %add3A_230 = arith.addi %get3A_197, %add3A_229 : vector<16xi32>
        %gather3A_231 = tpu.vector_load_idx %arg5[%add3A_230] : memref<8192xf32, #tpu.memory_space<vmem>>[vector<16xi32>], vector<16xf32>,
        %mul3A_232 = arith.constant 16 : i32
        %mul3A_233 = arith.muli %scan3A_193, %mul3A_232 : i32
        %add3A_234 = arith.constant 3072 : i32
        %add3A_235 = arith.addi %add3A_234, %mul3A_233 : i32
        %swap3A_236 = arith.index_cast %add3A_235 : i32 to index
        %swap3A_237 = tpu.vector_load %arg7[%swap3A_236] {strides = array<i32>} : memref<8192xf32, #tpu.memory_space<vmem>>, vector<16xf32>,
        tpu.vector_store %arg7[%swap3A_236], %gather3A_231 {strides = array<i32>} : memref<8192xf32, #tpu.memory_space<vmem>>, vector<16xf32>,
        %add3A_238 = arith.constant 4096 : i32
        %add3A_239 = vector.broadcast %add3A_238 : i32 to vector<16xi32>
        %add3A_240 = arith.addi %get3A_197, %add3A_239 : vector<16xi32>
        %gather3A_241 = tpu.vector_load_idx %arg5[%add3A_240] : memref<8192xf32, #tpu.memory_space<vmem>>[vector<16xi32>], vector<16xf32>,
        %mul3A_242 = arith.constant 16 : i32
        %mul3A_243 = arith.muli %scan3A_193, %mul3A_242 : i32
        %add3A_244 = arith.constant 4096 : i32
        %add3A_245 = arith.addi %add3A_244, %mul3A_243 : i32
        %swap3A_246 = arith.index_cast %add3A_245 : i32 to index
        %swap3A_247 = tpu.vector_load %arg7[%swap3A_246] {strides = array<i32>} : memref<8192xf32, #tpu.memory_space<vmem>>, vector<16xf32>,
        tpu.vector_store %arg7[%swap3A_246], %gather3A_241 {strides = array<i32>} : memref<8192xf32, #tpu.memory_space<vmem>>, vector<16xf32>,
        %add3A_248 = arith.constant 5120 : i32
        %add3A_249 = vector.broadcast %add3A_248 : i32 to vector<16xi32>
        %add3A_250 = arith.addi %get3A_197, %add3A_249 : vector<16xi32>
        %gather3A_251 = tpu.vector_load_idx %arg5[%add3A_250] : memref<8192xf32, #tpu.memory_space<vmem>>[vector<16xi32>], vector<16xf32>,
        %mul3A_252 = arith.constant 16 : i32
        %mul3A_253 = arith.muli %scan3A_193, %mul3A_252 : i32
        %add3A_254 = arith.constant 5120 : i32
        %add3A_255 = arith.addi %add3A_254, %mul3A_253 : i32
        %swap3A_256 = arith.index_cast %add3A_255 : i32 to index
        %swap3A_257 = tpu.vector_load %arg7[%swap3A_256] {strides = array<i32>} : memref<8192xf32, #tpu.memory_space<vmem>>, vector<16xf32>,
        tpu.vector_store %arg7[%swap3A_256], %gather3A_251 {strides = array<i32>} : memref<8192xf32, #tpu.memory_space<vmem>>, vector<16xf32>,
        %add3A_258 = arith.constant 6144 : i32
        %add3A_259 = vector.broadcast %add3A_258 : i32 to vector<16xi32>
        %add3A_260 = arith.addi %get3A_197, %add3A_259 : vector<16xi32>
        %gather3A_261 = tpu.vector_load_idx %arg5[%add3A_260] : memref<8192xf32, #tpu.memory_space<vmem>>[vector<16xi32>], vector<16xf32>,
        %mul3A_262 = arith.constant 16 : i32
        %mul3A_263 = arith.muli %scan3A_193, %mul3A_262 : i32
        %add3A_264 = arith.constant 6144 : i32
        %add3A_265 = arith.addi %add3A_264, %mul3A_263 : i32
        %swap3A_266 = arith.index_cast %add3A_265 : i32 to index
        %swap3A_267 = tpu.vector_load %arg7[%swap3A_266] {strides = array<i32>} : memref<8192xf32, #tpu.memory_space<vmem>>, vector<16xf32>,
        tpu.vector_store %arg7[%swap3A_266], %gather3A_261 {strides = array<i32>} : memref<8192xf32, #tpu.memory_space<vmem>>, vector<16xf32>,
        %add3A_268 = arith.constant 7168 : i32
        %add3A_269 = vector.broadcast %add3A_268 : i32 to vector<16xi32>
        %add3A_270 = arith.addi %get3A_197, %add3A_269 : vector<16xi32>
        %gather3A_271 = tpu.vector_load_idx %arg5[%add3A_270] : memref<8192xf32, #tpu.memory_space<vmem>>[vector<16xi32>], vector<16xf32>,
        %mul3A_272 = arith.constant 16 : i32
        %mul3A_273 = arith.muli %scan3A_193, %mul3A_272 : i32
        %add3A_274 = arith.constant 7168 : i32
        %add3A_275 = arith.addi %add3A_274, %mul3A_273 : i32
        %swap3A_276 = arith.index_cast %add3A_275 : i32 to index
        %swap3A_277 = tpu.vector_load %arg7[%swap3A_276] {strides = array<i32>} : memref<8192xf32, #tpu.memory_space<vmem>>, vector<16xf32>,
        tpu.vector_store %arg7[%swap3A_276], %gather3A_271 {strides = array<i32>} : memref<8192xf32, #tpu.memory_space<vmem>>, vector<16xf32>,
        %scan3A_278 = arith.constant 3 : i32
        %scan3A_279 = arith.addi %scan3A_24, %scan3A_278 : i32
        %mul3A_280 = arith.constant 16 : i32
        %mul3A_281 = arith.muli %scan3A_279, %mul3A_280 : i32
        %get3A_282 = arith.index_cast %mul3A_281 : i32 to index
        %get3A_283 = tpu.vector_load %arg6[%get3A_282] {strides = array<i32>} : memref<1024xi32, #tpu.memory_space<vmem>>, vector<16xi32>,
        %add3A_284 = arith.constant 0 : i32
        %add3A_285 = vector.broadcast %add3A_284 : i32 to vector<16xi32>
        %add3A_286 = arith.addi %get3A_283, %add3A_285 : vector<16xi32>
        %gather3A_287 = tpu.vector_load_idx %arg5[%add3A_286] : memref<8192xf32, #tpu.memory_space<vmem>>[vector<16xi32>], vector<16xf32>,
        %mul3A_288 = arith.constant 16 : i32
        %mul3A_289 = arith.muli %scan3A_279, %mul3A_288 : i32
        %add3A_290 = arith.constant 0 : i32
        %add3A_291 = arith.addi %add3A_290, %mul3A_289 : i32
        %swap3A_292 = arith.index_cast %add3A_291 : i32 to index
        %swap3A_293 = tpu.vector_load %arg7[%swap3A_292] {strides = array<i32>} : memref<8192xf32, #tpu.memory_space<vmem>>, vector<16xf32>,
        tpu.vector_store %arg7[%swap3A_292], %gather3A_287 {strides = array<i32>} : memref<8192xf32, #tpu.memory_space<vmem>>, vector<16xf32>,
        %add3A_294 = arith.constant 1024 : i32
        %add3A_295 = vector.broadcast %add3A_294 : i32 to vector<16xi32>
        %add3A_296 = arith.addi %get3A_283, %add3A_295 : vector<16xi32>
        %gather3A_297 = tpu.vector_load_idx %arg5[%add3A_296] : memref<8192xf32, #tpu.memory_space<vmem>>[vector<16xi32>], vector<16xf32>,
        %mul3A_298 = arith.constant 16 : i32
        %mul3A_299 = arith.muli %scan3A_279, %mul3A_298 : i32
        %add3A_300 = arith.constant 1024 : i32
        %add3A_301 = arith.addi %add3A_300, %mul3A_299 : i32
        %swap3A_302 = arith.index_cast %add3A_301 : i32 to index
        %swap3A_303 = tpu.vector_load %arg7[%swap3A_302] {strides = array<i32>} : memref<8192xf32, #tpu.memory_space<vmem>>, vector<16xf32>,
        tpu.vector_store %arg7[%swap3A_302], %gather3A_297 {strides = array<i32>} : memref<8192xf32, #tpu.memory_space<vmem>>, vector<16xf32>,
        %add3A_304 = arith.constant 2048 : i32
        %add3A_305 = vector.broadcast %add3A_304 : i32 to vector<16xi32>
        %add3A_306 = arith.addi %get3A_283, %add3A_305 : vector<16xi32>
        %gather3A_307 = tpu.vector_load_idx %arg5[%add3A_306] : memref<8192xf32, #tpu.memory_space<vmem>>[vector<16xi32>], vector<16xf32>,
        %mul3A_308 = arith.constant 16 : i32
        %mul3A_309 = arith.muli %scan3A_279, %mul3A_308 : i32
        %add3A_310 = arith.constant 2048 : i32
        %add3A_311 = arith.addi %add3A_310, %mul3A_309 : i32
        %swap3A_312 = arith.index_cast %add3A_311 : i32 to index
        %swap3A_313 = tpu.vector_load %arg7[%swap3A_312] {strides = array<i32>} : memref<8192xf32, #tpu.memory_space<vmem>>, vector<16xf32>,
        tpu.vector_store %arg7[%swap3A_312], %gather3A_307 {strides = array<i32>} : memref<8192xf32, #tpu.memory_space<vmem>>, vector<16xf32>,
        %add3A_314 = arith.constant 3072 : i32
        %add3A_315 = vector.broadcast %add3A_314 : i32 to vector<16xi32>
        %add3A_316 = arith.addi %get3A_283, %add3A_315 : vector<16xi32>
        %gather3A_317 = tpu.vector_load_idx %arg5[%add3A_316] : memref<8192xf32, #tpu.memory_space<vmem>>[vector<16xi32>], vector<16xf32>,
        %mul3A_318 = arith.constant 16 : i32
        %mul3A_319 = arith.muli %scan3A_279, %mul3A_318 : i32
        %add3A_320 = arith.constant 3072 : i32
        %add3A_321 = arith.addi %add3A_320, %mul3A_319 : i32
        %swap3A_322 = arith.index_cast %add3A_321 : i32 to index
        %swap3A_323 = tpu.vector_load %arg7[%swap3A_322] {strides = array<i32>} : memref<8192xf32, #tpu.memory_space<vmem>>, vector<16xf32>,
        tpu.vector_store %arg7[%swap3A_322], %gather3A_317 {strides = array<i32>} : memref<8192xf32, #tpu.memory_space<vmem>>, vector<16xf32>,
        %add3A_324 = arith.constant 4096 : i32
        %add3A_325 = vector.broadcast %add3A_324 : i32 to vector<16xi32>
        %add3A_326 = arith.addi %get3A_283, %add3A_325 : vector<16xi32>
        %gather3A_327 = tpu.vector_load_idx %arg5[%add3A_326] : memref<8192xf32, #tpu.memory_space<vmem>>[vector<16xi32>], vector<16xf32>,
        %mul3A_328 = arith.constant 16 : i32
        %mul3A_329 = arith.muli %scan3A_279, %mul3A_328 : i32
        %add3A_330 = arith.constant 4096 : i32
        %add3A_331 = arith.addi %add3A_330, %mul3A_329 : i32
        %swap3A_332 = arith.index_cast %add3A_331 : i32 to index
        %swap3A_333 = tpu.vector_load %arg7[%swap3A_332] {strides = array<i32>} : memref<8192xf32, #tpu.memory_space<vmem>>, vector<16xf32>,
        tpu.vector_store %arg7[%swap3A_332], %gather3A_327 {strides = array<i32>} : memref<8192xf32, #tpu.memory_space<vmem>>, vector<16xf32>,
        %add3A_334 = arith.constant 5120 : i32
        %add3A_335 = vector.broadcast %add3A_334 : i32 to vector<16xi32>
        %add3A_336 = arith.addi %get3A_283, %add3A_335 : vector<16xi32>
        %gather3A_337 = tpu.vector_load_idx %arg5[%add3A_336] : memref<8192xf32, #tpu.memory_space<vmem>>[vector<16xi32>], vector<16xf32>,
        %mul3A_338 = arith.constant 16 : i32
        %mul3A_339 = arith.muli %scan3A_279, %mul3A_338 : i32
        %add3A_340 = arith.constant 5120 : i32
        %add3A_341 = arith.addi %add3A_340, %mul3A_339 : i32
        %swap3A_342 = arith.index_cast %add3A_341 : i32 to index
        %swap3A_343 = tpu.vector_load %arg7[%swap3A_342] {strides = array<i32>} : memref<8192xf32, #tpu.memory_space<vmem>>, vector<16xf32>,
        tpu.vector_store %arg7[%swap3A_342], %gather3A_337 {strides = array<i32>} : memref<8192xf32, #tpu.memory_space<vmem>>, vector<16xf32>,
        %add3A_344 = arith.constant 6144 : i32
        %add3A_345 = vector.broadcast %add3A_344 : i32 to vector<16xi32>
        %add3A_346 = arith.addi %get3A_283, %add3A_345 : vector<16xi32>
        %gather3A_347 = tpu.vector_load_idx %arg5[%add3A_346] : memref<8192xf32, #tpu.memory_space<vmem>>[vector<16xi32>], vector<16xf32>,
        %mul3A_348 = arith.constant 16 : i32
        %mul3A_349 = arith.muli %scan3A_279, %mul3A_348 : i32
        %add3A_350 = arith.constant 6144 : i32
        %add3A_351 = arith.addi %add3A_350, %mul3A_349 : i32
        %swap3A_352 = arith.index_cast %add3A_351 : i32 to index
        %swap3A_353 = tpu.vector_load %arg7[%swap3A_352] {strides = array<i32>} : memref<8192xf32, #tpu.memory_space<vmem>>, vector<16xf32>,
        tpu.vector_store %arg7[%swap3A_352], %gather3A_347 {strides = array<i32>} : memref<8192xf32, #tpu.memory_space<vmem>>, vector<16xf32>,
        %add3A_354 = arith.constant 7168 : i32
        %add3A_355 = vector.broadcast %add3A_354 : i32 to vector<16xi32>
        %add3A_356 = arith.addi %get3A_283, %add3A_355 : vector<16xi32>
        %gather3A_357 = tpu.vector_load_idx %arg5[%add3A_356] : memref<8192xf32, #tpu.memory_space<vmem>>[vector<16xi32>], vector<16xf32>,
        %mul3A_358 = arith.constant 16 : i32
        %mul3A_359 = arith.muli %scan3A_279, %mul3A_358 : i32
        %add3A_360 = arith.constant 7168 : i32
        %add3A_361 = arith.addi %add3A_360, %mul3A_359 : i32
        %swap3A_362 = arith.index_cast %add3A_361 : i32 to index
        %swap3A_363 = tpu.vector_load %arg7[%swap3A_362] {strides = array<i32>} : memref<8192xf32, #tpu.memory_space<vmem>>, vector<16xf32>,
        tpu.vector_store %arg7[%swap3A_362], %gather3A_357 {strides = array<i32>} : memref<8192xf32, #tpu.memory_space<vmem>>, vector<16xf32>,
        %scan3A_364 = arith.constant 4 : i32
        %scan3A_365 = arith.addi %scan3A_24, %scan3A_364 : i32
        %mul3A_366 = arith.constant 16 : i32
        %mul3A_367 = arith.muli %scan3A_365, %mul3A_366 : i32
        %get3A_368 = arith.index_cast %mul3A_367 : i32 to index
        %get3A_369 = tpu.vector_load %arg6[%get3A_368] {strides = array<i32>} : memref<1024xi32, #tpu.memory_space<vmem>>, vector<16xi32>,
        %add3A_370 = arith.constant 0 : i32
        %add3A_371 = vector.broadcast %add3A_370 : i32 to vector<16xi32>
        %add3A_372 = arith.addi %get3A_369, %add3A_371 : vector<16xi32>
        %gather3A_373 = tpu.vector_load_idx %arg5[%add3A_372] : memref<8192xf32, #tpu.memory_space<vmem>>[vector<16xi32>], vector<16xf32>,
        %mul3A_374 = arith.constant 16 : i32
        %mul3A_375 = arith.muli %scan3A_365, %mul3A_374 : i32
        %add3A_376 = arith.constant 0 : i32
        %add3A_377 = arith.addi %add3A_376, %mul3A_375 : i32
        %swap3A_378 = arith.index_cast %add3A_377 : i32 to index
        %swap3A_379 = tpu.vector_load %arg7[%swap3A_378] {strides = array<i32>} : memref<8192xf32, #tpu.memory_space<vmem>>, vector<16xf32>,
        tpu.vector_store %arg7[%swap3A_378], %gather3A_373 {strides = array<i32>} : memref<8192xf32, #tpu.memory_space<vmem>>, vector<16xf32>,
        %add3A_380 = arith.constant 1024 : i32
        %add3A_381 = vector.broadcast %add3A_380 : i32 to vector<16xi32>
        %add3A_382 = arith.addi %get3A_369, %add3A_381 : vector<16xi32>
        %gather3A_383 = tpu.vector_load_idx %arg5[%add3A_382] : memref<8192xf32, #tpu.memory_space<vmem>>[vector<16xi32>], vector<16xf32>,
        %mul3A_384 = arith.constant 16 : i32
        %mul3A_385 = arith.muli %scan3A_365, %mul3A_384 : i32
        %add3A_386 = arith.constant 1024 : i32
        %add3A_387 = arith.addi %add3A_386, %mul3A_385 : i32
        %swap3A_388 = arith.index_cast %add3A_387 : i32 to index
        %swap3A_389 = tpu.vector_load %arg7[%swap3A_388] {strides = array<i32>} : memref<8192xf32, #tpu.memory_space<vmem>>, vector<16xf32>,
        tpu.vector_store %arg7[%swap3A_388], %gather3A_383 {strides = array<i32>} : memref<8192xf32, #tpu.memory_space<vmem>>, vector<16xf32>,
        %add3A_390 = arith.constant 2048 : i32
        %add3A_391 = vector.broadcast %add3A_390 : i32 to vector<16xi32>
        %add3A_392 = arith.addi %get3A_369, %add3A_391 : vector<16xi32>
        %gather3A_393 = tpu.vector_load_idx %arg5[%add3A_392] : memref<8192xf32, #tpu.memory_space<vmem>>[vector<16xi32>], vector<16xf32>,
        %mul3A_394 = arith.constant 16 : i32
        %mul3A_395 = arith.muli %scan3A_365, %mul3A_394 : i32
        %add3A_396 = arith.constant 2048 : i32
        %add3A_397 = arith.addi %add3A_396, %mul3A_395 : i32
        %swap3A_398 = arith.index_cast %add3A_397 : i32 to index
        %swap3A_399 = tpu.vector_load %arg7[%swap3A_398] {strides = array<i32>} : memref<8192xf32, #tpu.memory_space<vmem>>, vector<16xf32>,
        tpu.vector_store %arg7[%swap3A_398], %gather3A_393 {strides = array<i32>} : memref<8192xf32, #tpu.memory_space<vmem>>, vector<16xf32>,
        %add3A_400 = arith.constant 3072 : i32
        %add3A_401 = vector.broadcast %add3A_400 : i32 to vector<16xi32>
        %add3A_402 = arith.addi %get3A_369, %add3A_401 : vector<16xi32>
        %gather3A_403 = tpu.vector_load_idx %arg5[%add3A_402] : memref<8192xf32, #tpu.memory_space<vmem>>[vector<16xi32>], vector<16xf32>,
        %mul3A_404 = arith.constant 16 : i32
        %mul3A_405 = arith.muli %scan3A_365, %mul3A_404 : i32
        %add3A_406 = arith.constant 3072 : i32
        %add3A_407 = arith.addi %add3A_406, %mul3A_405 : i32
        %swap3A_408 = arith.index_cast %add3A_407 : i32 to index
        %swap3A_409 = tpu.vector_load %arg7[%swap3A_408] {strides = array<i32>} : memref<8192xf32, #tpu.memory_space<vmem>>, vector<16xf32>,
        tpu.vector_store %arg7[%swap3A_408], %gather3A_403 {strides = array<i32>} : memref<8192xf32, #tpu.memory_space<vmem>>, vector<16xf32>,
        %add3A_410 = arith.constant 4096 : i32
        %add3A_411 = vector.broadcast %add3A_410 : i32 to vector<16xi32>
        %add3A_412 = arith.addi %get3A_369, %add3A_411 : vector<16xi32>
        %gather3A_413 = tpu.vector_load_idx %arg5[%add3A_412] : memref<8192xf32, #tpu.memory_space<vmem>>[vector<16xi32>], vector<16xf32>,
        %mul3A_414 = arith.constant 16 : i32
        %mul3A_415 = arith.muli %scan3A_365, %mul3A_414 : i32
        %add3A_416 = arith.constant 4096 : i32
        %add3A_417 = arith.addi %add3A_416, %mul3A_415 : i32
        %swap3A_418 = arith.index_cast %add3A_417 : i32 to index
        %swap3A_419 = tpu.vector_load %arg7[%swap3A_418] {strides = array<i32>} : memref<8192xf32, #tpu.memory_space<vmem>>, vector<16xf32>,
        tpu.vector_store %arg7[%swap3A_418], %gather3A_413 {strides = array<i32>} : memref<8192xf32, #tpu.memory_space<vmem>>, vector<16xf32>,
        %add3A_420 = arith.constant 5120 : i32
        %add3A_421 = vector.broadcast %add3A_420 : i32 to vector<16xi32>
        %add3A_422 = arith.addi %get3A_369, %add3A_421 : vector<16xi32>
        %gather3A_423 = tpu.vector_load_idx %arg5[%add3A_422] : memref<8192xf32, #tpu.memory_space<vmem>>[vector<16xi32>], vector<16xf32>,
        %mul3A_424 = arith.constant 16 : i32
        %mul3A_425 = arith.muli %scan3A_365, %mul3A_424 : i32
        %add3A_426 = arith.constant 5120 : i32
        %add3A_427 = arith.addi %add3A_426, %mul3A_425 : i32
        %swap3A_428 = arith.index_cast %add3A_427 : i32 to index
        %swap3A_429 = tpu.vector_load %arg7[%swap3A_428] {strides = array<i32>} : memref<8192xf32, #tpu.memory_space<vmem>>, vector<16xf32>,
        tpu.vector_store %arg7[%swap3A_428], %gather3A_423 {strides = array<i32>} : memref<8192xf32, #tpu.memory_space<vmem>>, vector<16xf32>,
        %add3A_430 = arith.constant 6144 : i32
        %add3A_431 = vector.broadcast %add3A_430 : i32 to vector<16xi32>
        %add3A_432 = arith.addi %get3A_369, %add3A_431 : vector<16xi32>
        %gather3A_433 = tpu.vector_load_idx %arg5[%add3A_432] : memref<8192xf32, #tpu.memory_space<vmem>>[vector<16xi32>], vector<16xf32>,
        %mul3A_434 = arith.constant 16 : i32
        %mul3A_435 = arith.muli %scan3A_365, %mul3A_434 : i32
        %add3A_436 = arith.constant 6144 : i32
        %add3A_437 = arith.addi %add3A_436, %mul3A_435 : i32
        %swap3A_438 = arith.index_cast %add3A_437 : i32 to index
        %swap3A_439 = tpu.vector_load %arg7[%swap3A_438] {strides = array<i32>} : memref<8192xf32, #tpu.memory_space<vmem>>, vector<16xf32>,
        tpu.vector_store %arg7[%swap3A_438], %gather3A_433 {strides = array<i32>} : memref<8192xf32, #tpu.memory_space<vmem>>, vector<16xf32>,
        %add3A_440 = arith.constant 7168 : i32
        %add3A_441 = vector.broadcast %add3A_440 : i32 to vector<16xi32>
        %add3A_442 = arith.addi %get3A_369, %add3A_441 : vector<16xi32>
        %gather3A_443 = tpu.vector_load_idx %arg5[%add3A_442] : memref<8192xf32, #tpu.memory_space<vmem>>[vector<16xi32>], vector<16xf32>,
        %mul3A_444 = arith.constant 16 : i32
        %mul3A_445 = arith.muli %scan3A_365, %mul3A_444 : i32
        %add3A_446 = arith.constant 7168 : i32
        %add3A_447 = arith.addi %add3A_446, %mul3A_445 : i32
        %swap3A_448 = arith.index_cast %add3A_447 : i32 to index
        %swap3A_449 = tpu.vector_load %arg7[%swap3A_448] {strides = array<i32>} : memref<8192xf32, #tpu.memory_space<vmem>>, vector<16xf32>,
        tpu.vector_store %arg7[%swap3A_448], %gather3A_443 {strides = array<i32>} : memref<8192xf32, #tpu.memory_space<vmem>>, vector<16xf32>,
        %scan3A_450 = arith.constant 5 : i32
        %scan3A_451 = arith.addi %scan3A_24, %scan3A_450 : i32
        %mul3A_452 = arith.constant 16 : i32
        %mul3A_453 = arith.muli %scan3A_451, %mul3A_452 : i32
        %get3A_454 = arith.index_cast %mul3A_453 : i32 to index
        %get3A_455 = tpu.vector_load %arg6[%get3A_454] {strides = array<i32>} : memref<1024xi32, #tpu.memory_space<vmem>>, vector<16xi32>,
        %add3A_456 = arith.constant 0 : i32
        %add3A_457 = vector.broadcast %add3A_456 : i32 to vector<16xi32>
        %add3A_458 = arith.addi %get3A_455, %add3A_457 : vector<16xi32>
        %gather3A_459 = tpu.vector_load_idx %arg5[%add3A_458] : memref<8192xf32, #tpu.memory_space<vmem>>[vector<16xi32>], vector<16xf32>,
        %mul3A_460 = arith.constant 16 : i32
        %mul3A_461 = arith.muli %scan3A_451, %mul3A_460 : i32
        %add3A_462 = arith.constant 0 : i32
        %add3A_463 = arith.addi %add3A_462, %mul3A_461 : i32
        %swap3A_464 = arith.index_cast %add3A_463 : i32 to index
        %swap3A_465 = tpu.vector_load %arg7[%swap3A_464] {strides = array<i32>} : memref<8192xf32, #tpu.memory_space<vmem>>, vector<16xf32>,
        tpu.vector_store %arg7[%swap3A_464], %gather3A_459 {strides = array<i32>} : memref<8192xf32, #tpu.memory_space<vmem>>, vector<16xf32>,
        %add3A_466 = arith.constant 1024 : i32
        %add3A_467 = vector.broadcast %add3A_466 : i32 to vector<16xi32>
        %add3A_468 = arith.addi %get3A_455, %add3A_467 : vector<16xi32>
        %gather3A_469 = tpu.vector_load_idx %arg5[%add3A_468] : memref<8192xf32, #tpu.memory_space<vmem>>[vector<16xi32>], vector<16xf32>,
        %mul3A_470 = arith.constant 16 : i32
        %mul3A_471 = arith.muli %scan3A_451, %mul3A_470 : i32
        %add3A_472 = arith.constant 1024 : i32
        %add3A_473 = arith.addi %add3A_472, %mul3A_471 : i32
        %swap3A_474 = arith.index_cast %add3A_473 : i32 to index
        %swap3A_475 = tpu.vector_load %arg7[%swap3A_474] {strides = array<i32>} : memref<8192xf32, #tpu.memory_space<vmem>>, vector<16xf32>,
        tpu.vector_store %arg7[%swap3A_474], %gather3A_469 {strides = array<i32>} : memref<8192xf32, #tpu.memory_space<vmem>>, vector<16xf32>,
        %add3A_476 = arith.constant 2048 : i32
        %add3A_477 = vector.broadcast %add3A_476 : i32 to vector<16xi32>
        %add3A_478 = arith.addi %get3A_455, %add3A_477 : vector<16xi32>
        %gather3A_479 = tpu.vector_load_idx %arg5[%add3A_478] : memref<8192xf32, #tpu.memory_space<vmem>>[vector<16xi32>], vector<16xf32>,
        %mul3A_480 = arith.constant 16 : i32
        %mul3A_481 = arith.muli %scan3A_451, %mul3A_480 : i32
        %add3A_482 = arith.constant 2048 : i32
        %add3A_483 = arith.addi %add3A_482, %mul3A_481 : i32
        %swap3A_484 = arith.index_cast %add3A_483 : i32 to index
        %swap3A_485 = tpu.vector_load %arg7[%swap3A_484] {strides = array<i32>} : memref<8192xf32, #tpu.memory_space<vmem>>, vector<16xf32>,
        tpu.vector_store %arg7[%swap3A_484], %gather3A_479 {strides = array<i32>} : memref<8192xf32, #tpu.memory_space<vmem>>, vector<16xf32>,
        %add3A_486 = arith.constant 3072 : i32
        %add3A_487 = vector.broadcast %add3A_486 : i32 to vector<16xi32>
        %add3A_488 = arith.addi %get3A_455, %add3A_487 : vector<16xi32>
        %gather3A_489 = tpu.vector_load_idx %arg5[%add3A_488] : memref<8192xf32, #tpu.memory_space<vmem>>[vector<16xi32>], vector<16xf32>,
        %mul3A_490 = arith.constant 16 : i32
        %mul3A_491 = arith.muli %scan3A_451, %mul3A_490 : i32
        %add3A_492 = arith.constant 3072 : i32
        %add3A_493 = arith.addi %add3A_492, %mul3A_491 : i32
        %swap3A_494 = arith.index_cast %add3A_493 : i32 to index
        %swap3A_495 = tpu.vector_load %arg7[%swap3A_494] {strides = array<i32>} : memref<8192xf32, #tpu.memory_space<vmem>>, vector<16xf32>,
        tpu.vector_store %arg7[%swap3A_494], %gather3A_489 {strides = array<i32>} : memref<8192xf32, #tpu.memory_space<vmem>>, vector<16xf32>,
        %add3A_496 = arith.constant 4096 : i32
        %add3A_497 = vector.broadcast %add3A_496 : i32 to vector<16xi32>
        %add3A_498 = arith.addi %get3A_455, %add3A_497 : vector<16xi32>
        %gather3A_499 = tpu.vector_load_idx %arg5[%add3A_498] : memref<8192xf32, #tpu.memory_space<vmem>>[vector<16xi32>], vector<16xf32>,
        %mul3A_500 = arith.constant 16 : i32
        %mul3A_501 = arith.muli %scan3A_451, %mul3A_500 : i32
        %add3A_502 = arith.constant 4096 : i32
        %add3A_503 = arith.addi %add3A_502, %mul3A_501 : i32
        %swap3A_504 = arith.index_cast %add3A_503 : i32 to index
        %swap3A_505 = tpu.vector_load %arg7[%swap3A_504] {strides = array<i32>} : memref<8192xf32, #tpu.memory_space<vmem>>, vector<16xf32>,
        tpu.vector_store %arg7[%swap3A_504], %gather3A_499 {strides = array<i32>} : memref<8192xf32, #tpu.memory_space<vmem>>, vector<16xf32>,
        %add3A_506 = arith.constant 5120 : i32
        %add3A_507 = vector.broadcast %add3A_506 : i32 to vector<16xi32>
        %add3A_508 = arith.addi %get3A_455, %add3A_507 : vector<16xi32>
        %gather3A_509 = tpu.vector_load_idx %arg5[%add3A_508] : memref<8192xf32, #tpu.memory_space<vmem>>[vector<16xi32>], vector<16xf32>,
        %mul3A_510 = arith.constant 16 : i32
        %mul3A_511 = arith.muli %scan3A_451, %mul3A_510 : i32
        %add3A_512 = arith.constant 5120 : i32
        %add3A_513 = arith.addi %add3A_512, %mul3A_511 : i32
        %swap3A_514 = arith.index_cast %add3A_513 : i32 to index
        %swap3A_515 = tpu.vector_load %arg7[%swap3A_514] {strides = array<i32>} : memref<8192xf32, #tpu.memory_space<vmem>>, vector<16xf32>,
        tpu.vector_store %arg7[%swap3A_514], %gather3A_509 {strides = array<i32>} : memref<8192xf32, #tpu.memory_space<vmem>>, vector<16xf32>,
        %add3A_516 = arith.constant 6144 : i32
        %add3A_517 = vector.broadcast %add3A_516 : i32 to vector<16xi32>
        %add3A_518 = arith.addi %get3A_455, %add3A_517 : vector<16xi32>
        %gather3A_519 = tpu.vector_load_idx %arg5[%add3A_518] : memref<8192xf32, #tpu.memory_space<vmem>>[vector<16xi32>], vector<16xf32>,
        %mul3A_520 = arith.constant 16 : i32
        %mul3A_521 = arith.muli %scan3A_451, %mul3A_520 : i32
        %add3A_522 = arith.constant 6144 : i32
        %add3A_523 = arith.addi %add3A_522, %mul3A_521 : i32
        %swap3A_524 = arith.index_cast %add3A_523 : i32 to index
        %swap3A_525 = tpu.vector_load %arg7[%swap3A_524] {strides = array<i32>} : memref<8192xf32, #tpu.memory_space<vmem>>, vector<16xf32>,
        tpu.vector_store %arg7[%swap3A_524], %gather3A_519 {strides = array<i32>} : memref<8192xf32, #tpu.memory_space<vmem>>, vector<16xf32>,
        %add3A_526 = arith.constant 7168 : i32
        %add3A_527 = vector.broadcast %add3A_526 : i32 to vector<16xi32>
        %add3A_528 = arith.addi %get3A_455, %add3A_527 : vector<16xi32>
        %gather3A_529 = tpu.vector_load_idx %arg5[%add3A_528] : memref<8192xf32, #tpu.memory_space<vmem>>[vector<16xi32>], vector<16xf32>,
        %mul3A_530 = arith.constant 16 : i32
        %mul3A_531 = arith.muli %scan3A_451, %mul3A_530 : i32
        %add3A_532 = arith.constant 7168 : i32
        %add3A_533 = arith.addi %add3A_532, %mul3A_531 : i32
        %swap3A_534 = arith.index_cast %add3A_533 : i32 to index
        %swap3A_535 = tpu.vector_load %arg7[%swap3A_534] {strides = array<i32>} : memref<8192xf32, #tpu.memory_space<vmem>>, vector<16xf32>,
        tpu.vector_store %arg7[%swap3A_534], %gather3A_529 {strides = array<i32>} : memref<8192xf32, #tpu.memory_space<vmem>>, vector<16xf32>,
        %scan3A_536 = arith.constant 6 : i32
        %scan3A_537 = arith.addi %scan3A_24, %scan3A_536 : i32
        %mul3A_538 = arith.constant 16 : i32
        %mul3A_539 = arith.muli %scan3A_537, %mul3A_538 : i32
        %get3A_540 = arith.index_cast %mul3A_539 : i32 to index
        %get3A_541 = tpu.vector_load %arg6[%get3A_540] {strides = array<i32>} : memref<1024xi32, #tpu.memory_space<vmem>>, vector<16xi32>,
        %add3A_542 = arith.constant 0 : i32
        %add3A_543 = vector.broadcast %add3A_542 : i32 to vector<16xi32>
        %add3A_544 = arith.addi %get3A_541, %add3A_543 : vector<16xi32>
        %gather3A_545 = tpu.vector_load_idx %arg5[%add3A_544] : memref<8192xf32, #tpu.memory_space<vmem>>[vector<16xi32>], vector<16xf32>,
        %mul3A_546 = arith.constant 16 : i32
        %mul3A_547 = arith.muli %scan3A_537, %mul3A_546 : i32
        %add3A_548 = arith.constant 0 : i32
        %add3A_549 = arith.addi %add3A_548, %mul3A_547 : i32
        %swap3A_550 = arith.index_cast %add3A_549 : i32 to index
        %swap3A_551 = tpu.vector_load %arg7[%swap3A_550] {strides = array<i32>} : memref<8192xf32, #tpu.memory_space<vmem>>, vector<16xf32>,
        tpu.vector_store %arg7[%swap3A_550], %gather3A_545 {strides = array<i32>} : memref<8192xf32, #tpu.memory_space<vmem>>, vector<16xf32>,
        %add3A_552 = arith.constant 1024 : i32
        %add3A_553 = vector.broadcast %add3A_552 : i32 to vector<16xi32>
        %add3A_554 = arith.addi %get3A_541, %add3A_553 : vector<16xi32>
        %gather3A_555 = tpu.vector_load_idx %arg5[%add3A_554] : memref<8192xf32, #tpu.memory_space<vmem>>[vector<16xi32>], vector<16xf32>,
        %mul3A_556 = arith.constant 16 : i32
        %mul3A_557 = arith.muli %scan3A_537, %mul3A_556 : i32
        %add3A_558 = arith.constant 1024 : i32
        %add3A_559 = arith.addi %add3A_558, %mul3A_557 : i32
        %swap3A_560 = arith.index_cast %add3A_559 : i32 to index
        %swap3A_561 = tpu.vector_load %arg7[%swap3A_560] {strides = array<i32>} : memref<8192xf32, #tpu.memory_space<vmem>>, vector<16xf32>,
        tpu.vector_store %arg7[%swap3A_560], %gather3A_555 {strides = array<i32>} : memref<8192xf32, #tpu.memory_space<vmem>>, vector<16xf32>,
        %add3A_562 = arith.constant 2048 : i32
        %add3A_563 = vector.broadcast %add3A_562 : i32 to vector<16xi32>
        %add3A_564 = arith.addi %get3A_541, %add3A_563 : vector<16xi32>
        %gather3A_565 = tpu.vector_load_idx %arg5[%add3A_564] : memref<8192xf32, #tpu.memory_space<vmem>>[vector<16xi32>], vector<16xf32>,
        %mul3A_566 = arith.constant 16 : i32
        %mul3A_567 = arith.muli %scan3A_537, %mul3A_566 : i32
        %add3A_568 = arith.constant 2048 : i32
        %add3A_569 = arith.addi %add3A_568, %mul3A_567 : i32
        %swap3A_570 = arith.index_cast %add3A_569 : i32 to index
        %swap3A_571 = tpu.vector_load %arg7[%swap3A_570] {strides = array<i32>} : memref<8192xf32, #tpu.memory_space<vmem>>, vector<16xf32>,
        tpu.vector_store %arg7[%swap3A_570], %gather3A_565 {strides = array<i32>} : memref<8192xf32, #tpu.memory_space<vmem>>, vector<16xf32>,
        %add3A_572 = arith.constant 3072 : i32
        %add3A_573 = vector.broadcast %add3A_572 : i32 to vector<16xi32>
        %add3A_574 = arith.addi %get3A_541, %add3A_573 : vector<16xi32>
        %gather3A_575 = tpu.vector_load_idx %arg5[%add3A_574] : memref<8192xf32, #tpu.memory_space<vmem>>[vector<16xi32>], vector<16xf32>,
        %mul3A_576 = arith.constant 16 : i32
        %mul3A_577 = arith.muli %scan3A_537, %mul3A_576 : i32
        %add3A_578 = arith.constant 3072 : i32
        %add3A_579 = arith.addi %add3A_578, %mul3A_577 : i32
        %swap3A_580 = arith.index_cast %add3A_579 : i32 to index
        %swap3A_581 = tpu.vector_load %arg7[%swap3A_580] {strides = array<i32>} : memref<8192xf32, #tpu.memory_space<vmem>>, vector<16xf32>,
        tpu.vector_store %arg7[%swap3A_580], %gather3A_575 {strides = array<i32>} : memref<8192xf32, #tpu.memory_space<vmem>>, vector<16xf32>,
        %add3A_582 = arith.constant 4096 : i32
        %add3A_583 = vector.broadcast %add3A_582 : i32 to vector<16xi32>
        %add3A_584 = arith.addi %get3A_541, %add3A_583 : vector<16xi32>
        %gather3A_585 = tpu.vector_load_idx %arg5[%add3A_584] : memref<8192xf32, #tpu.memory_space<vmem>>[vector<16xi32>], vector<16xf32>,
        %mul3A_586 = arith.constant 16 : i32
        %mul3A_587 = arith.muli %scan3A_537, %mul3A_586 : i32
        %add3A_588 = arith.constant 4096 : i32
        %add3A_589 = arith.addi %add3A_588, %mul3A_587 : i32
        %swap3A_590 = arith.index_cast %add3A_589 : i32 to index
        %swap3A_591 = tpu.vector_load %arg7[%swap3A_590] {strides = array<i32>} : memref<8192xf32, #tpu.memory_space<vmem>>, vector<16xf32>,
        tpu.vector_store %arg7[%swap3A_590], %gather3A_585 {strides = array<i32>} : memref<8192xf32, #tpu.memory_space<vmem>>, vector<16xf32>,
        %add3A_592 = arith.constant 5120 : i32
        %add3A_593 = vector.broadcast %add3A_592 : i32 to vector<16xi32>
        %add3A_594 = arith.addi %get3A_541, %add3A_593 : vector<16xi32>
        %gather3A_595 = tpu.vector_load_idx %arg5[%add3A_594] : memref<8192xf32, #tpu.memory_space<vmem>>[vector<16xi32>], vector<16xf32>,
        %mul3A_596 = arith.constant 16 : i32
        %mul3A_597 = arith.muli %scan3A_537, %mul3A_596 : i32
        %add3A_598 = arith.constant 5120 : i32
        %add3A_599 = arith.addi %add3A_598, %mul3A_597 : i32
        %swap3A_600 = arith.index_cast %add3A_599 : i32 to index
        %swap3A_601 = tpu.vector_load %arg7[%swap3A_600] {strides = array<i32>} : memref<8192xf32, #tpu.memory_space<vmem>>, vector<16xf32>,
        tpu.vector_store %arg7[%swap3A_600], %gather3A_595 {strides = array<i32>} : memref<8192xf32, #tpu.memory_space<vmem>>, vector<16xf32>,
        %add3A_602 = arith.constant 6144 : i32
        %add3A_603 = vector.broadcast %add3A_602 : i32 to vector<16xi32>
        %add3A_604 = arith.addi %get3A_541, %add3A_603 : vector<16xi32>
        %gather3A_605 = tpu.vector_load_idx %arg5[%add3A_604] : memref<8192xf32, #tpu.memory_space<vmem>>[vector<16xi32>], vector<16xf32>,
        %mul3A_606 = arith.constant 16 : i32
        %mul3A_607 = arith.muli %scan3A_537, %mul3A_606 : i32
        %add3A_608 = arith.constant 6144 : i32
        %add3A_609 = arith.addi %add3A_608, %mul3A_607 : i32
        %swap3A_610 = arith.index_cast %add3A_609 : i32 to index
        %swap3A_611 = tpu.vector_load %arg7[%swap3A_610] {strides = array<i32>} : memref<8192xf32, #tpu.memory_space<vmem>>, vector<16xf32>,
        tpu.vector_store %arg7[%swap3A_610], %gather3A_605 {strides = array<i32>} : memref<8192xf32, #tpu.memory_space<vmem>>, vector<16xf32>,
        %add3A_612 = arith.constant 7168 : i32
        %add3A_613 = vector.broadcast %add3A_612 : i32 to vector<16xi32>
        %add3A_614 = arith.addi %get3A_541, %add3A_613 : vector<16xi32>
        %gather3A_615 = tpu.vector_load_idx %arg5[%add3A_614] : memref<8192xf32, #tpu.memory_space<vmem>>[vector<16xi32>], vector<16xf32>,
        %mul3A_616 = arith.constant 16 : i32
        %mul3A_617 = arith.muli %scan3A_537, %mul3A_616 : i32
        %add3A_618 = arith.constant 7168 : i32
        %add3A_619 = arith.addi %add3A_618, %mul3A_617 : i32
        %swap3A_620 = arith.index_cast %add3A_619 : i32 to index
        %swap3A_621 = tpu.vector_load %arg7[%swap3A_620] {strides = array<i32>} : memref<8192xf32, #tpu.memory_space<vmem>>, vector<16xf32>,
        tpu.vector_store %arg7[%swap3A_620], %gather3A_615 {strides = array<i32>} : memref<8192xf32, #tpu.memory_space<vmem>>, vector<16xf32>,
        %scan3A_622 = arith.constant 7 : i32
        %scan3A_623 = arith.addi %scan3A_24, %scan3A_622 : i32
        %mul3A_624 = arith.constant 16 : i32
        %mul3A_625 = arith.muli %scan3A_623, %mul3A_624 : i32
        %get3A_626 = arith.index_cast %mul3A_625 : i32 to index
        %get3A_627 = tpu.vector_load %arg6[%get3A_626] {strides = array<i32>} : memref<1024xi32, #tpu.memory_space<vmem>>, vector<16xi32>,
        %add3A_628 = arith.constant 0 : i32
        %add3A_629 = vector.broadcast %add3A_628 : i32 to vector<16xi32>
        %add3A_630 = arith.addi %get3A_627, %add3A_629 : vector<16xi32>
        %gather3A_631 = tpu.vector_load_idx %arg5[%add3A_630] : memref<8192xf32, #tpu.memory_space<vmem>>[vector<16xi32>], vector<16xf32>,
        %mul3A_632 = arith.constant 16 : i32
        %mul3A_633 = arith.muli %scan3A_623, %mul3A_632 : i32
        %add3A_634 = arith.constant 0 : i32
        %add3A_635 = arith.addi %add3A_634, %mul3A_633 : i32
        %swap3A_636 = arith.index_cast %add3A_635 : i32 to index
        %swap3A_637 = tpu.vector_load %arg7[%swap3A_636] {strides = array<i32>} : memref<8192xf32, #tpu.memory_space<vmem>>, vector<16xf32>,
        tpu.vector_store %arg7[%swap3A_636], %gather3A_631 {strides = array<i32>} : memref<8192xf32, #tpu.memory_space<vmem>>, vector<16xf32>,
        %add3A_638 = arith.constant 1024 : i32
        %add3A_639 = vector.broadcast %add3A_638 : i32 to vector<16xi32>
        %add3A_640 = arith.addi %get3A_627, %add3A_639 : vector<16xi32>
        %gather3A_641 = tpu.vector_load_idx %arg5[%add3A_640] : memref<8192xf32, #tpu.memory_space<vmem>>[vector<16xi32>], vector<16xf32>,
        %mul3A_642 = arith.constant 16 : i32
        %mul3A_643 = arith.muli %scan3A_623, %mul3A_642 : i32
        %add3A_644 = arith.constant 1024 : i32
        %add3A_645 = arith.addi %add3A_644, %mul3A_643 : i32
        %swap3A_646 = arith.index_cast %add3A_645 : i32 to index
        %swap3A_647 = tpu.vector_load %arg7[%swap3A_646] {strides = array<i32>} : memref<8192xf32, #tpu.memory_space<vmem>>, vector<16xf32>,
        tpu.vector_store %arg7[%swap3A_646], %gather3A_641 {strides = array<i32>} : memref<8192xf32, #tpu.memory_space<vmem>>, vector<16xf32>,
        %add3A_648 = arith.constant 2048 : i32
        %add3A_649 = vector.broadcast %add3A_648 : i32 to vector<16xi32>
        %add3A_650 = arith.addi %get3A_627, %add3A_649 : vector<16xi32>
        %gather3A_651 = tpu.vector_load_idx %arg5[%add3A_650] : memref<8192xf32, #tpu.memory_space<vmem>>[vector<16xi32>], vector<16xf32>,
        %mul3A_652 = arith.constant 16 : i32
        %mul3A_653 = arith.muli %scan3A_623, %mul3A_652 : i32
        %add3A_654 = arith.constant 2048 : i32
        %add3A_655 = arith.addi %add3A_654, %mul3A_653 : i32
        %swap3A_656 = arith.index_cast %add3A_655 : i32 to index
        %swap3A_657 = tpu.vector_load %arg7[%swap3A_656] {strides = array<i32>} : memref<8192xf32, #tpu.memory_space<vmem>>, vector<16xf32>,
        tpu.vector_store %arg7[%swap3A_656], %gather3A_651 {strides = array<i32>} : memref<8192xf32, #tpu.memory_space<vmem>>, vector<16xf32>,
        %add3A_658 = arith.constant 3072 : i32
        %add3A_659 = vector.broadcast %add3A_658 : i32 to vector<16xi32>
        %add3A_660 = arith.addi %get3A_627, %add3A_659 : vector<16xi32>
        %gather3A_661 = tpu.vector_load_idx %arg5[%add3A_660] : memref<8192xf32, #tpu.memory_space<vmem>>[vector<16xi32>], vector<16xf32>,
        %mul3A_662 = arith.constant 16 : i32
        %mul3A_663 = arith.muli %scan3A_623, %mul3A_662 : i32
        %add3A_664 = arith.constant 3072 : i32
        %add3A_665 = arith.addi %add3A_664, %mul3A_663 : i32
        %swap3A_666 = arith.index_cast %add3A_665 : i32 to index
        %swap3A_667 = tpu.vector_load %arg7[%swap3A_666] {strides = array<i32>} : memref<8192xf32, #tpu.memory_space<vmem>>, vector<16xf32>,
        tpu.vector_store %arg7[%swap3A_666], %gather3A_661 {strides = array<i32>} : memref<8192xf32, #tpu.memory_space<vmem>>, vector<16xf32>,
        %add3A_668 = arith.constant 4096 : i32
        %add3A_669 = vector.broadcast %add3A_668 : i32 to vector<16xi32>
        %add3A_670 = arith.addi %get3A_627, %add3A_669 : vector<16xi32>
        %gather3A_671 = tpu.vector_load_idx %arg5[%add3A_670] : memref<8192xf32, #tpu.memory_space<vmem>>[vector<16xi32>], vector<16xf32>,
        %mul3A_672 = arith.constant 16 : i32
        %mul3A_673 = arith.muli %scan3A_623, %mul3A_672 : i32
        %add3A_674 = arith.constant 4096 : i32
        %add3A_675 = arith.addi %add3A_674, %mul3A_673 : i32
        %swap3A_676 = arith.index_cast %add3A_675 : i32 to index
        %swap3A_677 = tpu.vector_load %arg7[%swap3A_676] {strides = array<i32>} : memref<8192xf32, #tpu.memory_space<vmem>>, vector<16xf32>,
        tpu.vector_store %arg7[%swap3A_676], %gather3A_671 {strides = array<i32>} : memref<8192xf32, #tpu.memory_space<vmem>>, vector<16xf32>,
        %add3A_678 = arith.constant 5120 : i32
        %add3A_679 = vector.broadcast %add3A_678 : i32 to vector<16xi32>
        %add3A_680 = arith.addi %get3A_627, %add3A_679 : vector<16xi32>
        %gather3A_681 = tpu.vector_load_idx %arg5[%add3A_680] : memref<8192xf32, #tpu.memory_space<vmem>>[vector<16xi32>], vector<16xf32>,
        %mul3A_682 = arith.constant 16 : i32
        %mul3A_683 = arith.muli %scan3A_623, %mul3A_682 : i32
        %add3A_684 = arith.constant 5120 : i32
        %add3A_685 = arith.addi %add3A_684, %mul3A_683 : i32
        %swap3A_686 = arith.index_cast %add3A_685 : i32 to index
        %swap3A_687 = tpu.vector_load %arg7[%swap3A_686] {strides = array<i32>} : memref<8192xf32, #tpu.memory_space<vmem>>, vector<16xf32>,
        tpu.vector_store %arg7[%swap3A_686], %gather3A_681 {strides = array<i32>} : memref<8192xf32, #tpu.memory_space<vmem>>, vector<16xf32>,
        %add3A_688 = arith.constant 6144 : i32
        %add3A_689 = vector.broadcast %add3A_688 : i32 to vector<16xi32>
        %add3A_690 = arith.addi %get3A_627, %add3A_689 : vector<16xi32>
        %gather3A_691 = tpu.vector_load_idx %arg5[%add3A_690] : memref<8192xf32, #tpu.memory_space<vmem>>[vector<16xi32>], vector<16xf32>,
        %mul3A_692 = arith.constant 16 : i32
        %mul3A_693 = arith.muli %scan3A_623, %mul3A_692 : i32
        %add3A_694 = arith.constant 6144 : i32
        %add3A_695 = arith.addi %add3A_694, %mul3A_693 : i32
        %swap3A_696 = arith.index_cast %add3A_695 : i32 to index
        %swap3A_697 = tpu.vector_load %arg7[%swap3A_696] {strides = array<i32>} : memref<8192xf32, #tpu.memory_space<vmem>>, vector<16xf32>,
        tpu.vector_store %arg7[%swap3A_696], %gather3A_691 {strides = array<i32>} : memref<8192xf32, #tpu.memory_space<vmem>>, vector<16xf32>,
        %add3A_698 = arith.constant 7168 : i32
        %add3A_699 = vector.broadcast %add3A_698 : i32 to vector<16xi32>
        %add3A_700 = arith.addi %get3A_627, %add3A_699 : vector<16xi32>
        %gather3A_701 = tpu.vector_load_idx %arg5[%add3A_700] : memref<8192xf32, #tpu.memory_space<vmem>>[vector<16xi32>], vector<16xf32>,
        %mul3A_702 = arith.constant 16 : i32
        %mul3A_703 = arith.muli %scan3A_623, %mul3A_702 : i32
        %add3A_704 = arith.constant 7168 : i32
        %add3A_705 = arith.addi %add3A_704, %mul3A_703 : i32
        %swap3A_706 = arith.index_cast %add3A_705 : i32 to index
        %swap3A_707 = tpu.vector_load %arg7[%swap3A_706] {strides = array<i32>} : memref<8192xf32, #tpu.memory_space<vmem>>, vector<16xf32>,
        tpu.vector_store %arg7[%swap3A_706], %gather3A_701 {strides = array<i32>} : memref<8192xf32, #tpu.memory_space<vmem>>, vector<16xf32>,
      }
      %scan3A_18 = arith.constant 64 : i32
      %mul3A_19 = arith.constant 262144 : i32
      %mul3A_20 = arith.muli %scan3A_10, %mul3A_19 : i32
      %mul3A_21 = arith.constant 1024 : i32
      %mul3A_22 = arith.muli %mul3A_2, %mul3A_21 : i32
      %add3A_23 = arith.addi %mul3A_20, %mul3A_22 : i32
      "tpu.region"() ({
        %run_scoped3A = tpu.sem_alloc : memref<!tpu.dma_semaphore, #tpu.memory_space<semaphore_mem>>
        %dma_start3A = tpu.memref_slice %arg4[%add3A_23] : memref<4194304xf32, #tpu.memory_space<hbm>> -> memref<8192xf32, #tpu.memory_space<hbm>>
        %dma_start3A_24 = tpu.memref_slice %arg4[%add3A_23] : memref<4194304xf32, #tpu.memory_space<hbm>> -> memref<8192xf32, #tpu.memory_space<hbm>>
        tpu.enqueue_dma source(%arg7 : memref<8192xf32, #tpu.memory_space<vmem>>) target(%dma_start3A_24 : memref<8192xf32, #tpu.memory_space<hbm>>) target_semaphore(%run_scoped3A : memref<!tpu.dma_semaphore, #tpu.memory_space<semaphore_mem>>)
        %dma_wait3A = tpu.memref_slice %arg4[%add3A_23] : memref<4194304xf32, #tpu.memory_space<hbm>> -> memref<8192xf32, #tpu.memory_space<hbm>>
        %dma_wait3A_25 = tpu.memref_slice %arg4[%add3A_23] : memref<4194304xf32, #tpu.memory_space<hbm>> -> memref<8192xf32, #tpu.memory_space<hbm>>
        tpu.wait_dma2 semaphore(%run_scoped3A : memref<!tpu.dma_semaphore, #tpu.memory_space<semaphore_mem>>) src(%arg7 : memref<8192xf32, #tpu.memory_space<vmem>>) dst(%dma_wait3A_25 : memref<8192xf32, #tpu.memory_space<hbm>>)
        tpu.yield
      }) : () -> ()
    }
    %scan3A_9 = arith.constant 16 : i32
    return
  }
}

module attributes {stable_mosaic.version = 14 : i64} {
  func.func @_vq_codes_body(%arg0: i32, %arg1: memref<1x256x1024xf32, #tpu.memory_space<vmem>>, %arg2: memref<1024x256xf32, #tpu.memory_space<vmem>>, %arg3: memref<1x1x1024xi32, #tpu.memory_space<vmem>>, %arg4: memref<1x8x128xf32, #tpu.memory_space<vmem>>) attributes {dimension_semantics = [#tpu.dimension_semantics<arbitrary>], iteration_bounds = array<i64: 16>, scalar_prefetch = 0 : i64, scratch_operands = 0 : i64, tpu.core_type = #tpu.core_type<tc>, window_params = [{transform_indices = @transform_0, window_bounds = array<i64: 1, 256, 1024>}, {pipeline_mode = #tpu.pipeline_mode<synchronous>, transform_indices = @transform_1, window_bounds = array<i64: 1024, 256>}, {transform_indices = @transform_2, window_bounds = array<i64: 1, 1, 1024>}, {transform_indices = @transform_3, window_bounds = array<i64: 1, 8, 128>}]} {
    %get3A = arith.constant 0 : index
    %get3A_0 = arith.constant 0 : index
    %get3A_1 = arith.constant 0 : index
    %get3A_2 = vector.load %arg1[%get3A, %get3A_0, %get3A_1] : memref<1x256x1024xf32, #tpu.memory_space<vmem>>, vector<1x256x1024xf32>
    %get3A_3 = vector.shape_cast %get3A_2 : vector<1x256x1024xf32> to vector<256x1024xf32>
    %get3A_4 = arith.constant 0 : index
    %get3A_5 = arith.constant 0 : index
    %get3A_6 = vector.load %arg2[%get3A_4, %get3A_5] : memref<1024x256xf32, #tpu.memory_space<vmem>>, vector<1024x256xf32>
    %mul3A = arith.mulf %get3A_3, %get3A_3 : vector<256x1024xf32>
    %reduce_sum3A = arith.constant dense<0.000000e+00> : vector<1024xf32>
    %reduce_sum3A_7 = vector.multi_reduction <add>, %mul3A, %reduce_sum3A [0] : vector<256x1024xf32> to vector<1024xf32>
    %mul3A_8 = arith.mulf %get3A_6, %get3A_6 : vector<1024x256xf32>
    %reduce_sum3A_9 = arith.constant dense<0.000000e+00> : vector<1024xf32>
    %reduce_sum3A_10 = vector.multi_reduction <add>, %mul3A_8, %reduce_sum3A_9 [1] : vector<1024x256xf32> to vector<1024xf32>
    %dot_general3A = arith.constant dense<0.000000e+00> : vector<1024x1024xf32>
    %dot_general3A_11 = tpu.matmul %get3A_6, %get3A_3, %dot_general3A {dimension_numbers = #tpu.dot_dimension_numbers<[1], [0], [0], [1], [0, 0, 1, 1], [], []>, transpose_lhs_hint = false} : vector<1024x256xf32>, vector<256x1024xf32>, vector<1024x1024xf32> -> vector<1024x1024xf32>
    %broadcast_in_dim3A = vector.shape_cast %reduce_sum3A_7 : vector<1024xf32> to vector<1x1024xf32>
    %mul3A_12 = arith.constant 2.000000e+00 : f32
    %mul3A_13 = vector.broadcast %mul3A_12 : f32 to vector<1024x1024xf32>
    %mul3A_14 = arith.mulf %mul3A_13, %dot_general3A_11 : vector<1024x1024xf32>
    %sub3A = vector.broadcast %broadcast_in_dim3A : vector<1x1024xf32> to vector<1024x1024xf32>
    %sub3A_15 = arith.subf %sub3A, %mul3A_14 : vector<1024x1024xf32>
    %broadcast_in_dim3A_16 = vector.shape_cast %reduce_sum3A_10 : vector<1024xf32> to vector<1024x1xf32>
    %add3A = vector.broadcast %broadcast_in_dim3A_16 : vector<1024x1xf32> to vector<1024x1024xf32>
    %add3A_17 = arith.addf %sub3A_15, %add3A : vector<1024x1024xf32>
    %reduce_min3A = arith.constant dense<0x7F800000> : vector<1024xf32>
    %reduce_min3A_18 = vector.multi_reduction <minimumf>, %add3A_17, %reduce_min3A [0] : vector<1024x1024xf32> to vector<1024xf32>
    %broadcast_in_dim3A_19 = vector.shape_cast %reduce_min3A_18 : vector<1024xf32> to vector<1x1024xf32>
    %iota3A = tpu.iota {dimensions = array<i32: 0>} : vector<1024x1024xi32>
    %eq3A = vector.broadcast %broadcast_in_dim3A_19 : vector<1x1024xf32> to vector<1024x1024xf32>
    %eq3A_20 = arith.cmpf oeq, %add3A_17, %eq3A : vector<1024x1024xf32>
    %jit3A = arith.constant 1073741824 : i32
    %broadcast_in_dim3A_21 = vector.broadcast %jit3A : i32 to vector<1024x1024xi32>
    %select_n3A = arith.select %eq3A_20, %iota3A, %broadcast_in_dim3A_21 : vector<1024x1024xi1>, vector<1024x1024xi32>
    %reduce_min3A_22 = arith.constant dense<2147483647> : vector<1024xi32>
    %reduce_min3A_23 = vector.multi_reduction <minsi>, %select_n3A, %reduce_min3A_22 [0] : vector<1024x1024xi32> to vector<1024xi32>
    %reshape3A = vector.shape_cast %reduce_min3A_23 : vector<1024xi32> to vector<1x1x1024xi32>
    %swap3A = arith.constant 0 : index
    %swap3A_24 = arith.constant 0 : index
    %swap3A_25 = arith.constant 0 : index
    %swap3A_26 = vector.load %arg3[%swap3A, %swap3A_24, %swap3A_25] : memref<1x1x1024xi32, #tpu.memory_space<vmem>>, vector<1x1x1024xi32>
    tpu.vector_store %arg3[%swap3A, %swap3A_24, %swap3A_25], %reshape3A {strides = array<i32>} : memref<1x1x1024xi32, #tpu.memory_space<vmem>>, vector<1x1x1024xi32>,
    %reduce_sum3A_27 = vector.shape_cast %broadcast_in_dim3A_19 : vector<1x1024xf32> to vector<1x1x1024xf32>
    %reduce_sum3A_28 = arith.constant dense<0.000000e+00> : vector<1xf32>
    %reduce_sum3A_29 = vector.multi_reduction <add>, %reduce_sum3A_27, %reduce_sum3A_28 [1, 2] : vector<1x1x1024xf32> to vector<1xf32>
    %reduce_sum3A_30 = vector.shape_cast %reduce_sum3A_29 : vector<1xf32> to vector<1x1x1xf32>
    %reduce_sum3A_31 = vector.extract %reduce_sum3A_30[0, 0, 0] : f32 from vector<1x1x1xf32>
    %broadcast_in_dim3A_32 = vector.broadcast %reduce_sum3A_31 : f32 to vector<1x8x128xf32>
    %swap3A_33 = arith.constant 0 : index
    %swap3A_34 = arith.constant 0 : index
    %swap3A_35 = arith.constant 0 : index
    %swap3A_36 = vector.load %arg4[%swap3A_33, %swap3A_34, %swap3A_35] : memref<1x8x128xf32, #tpu.memory_space<vmem>>, vector<1x8x128xf32>
    tpu.vector_store %arg4[%swap3A_33, %swap3A_34, %swap3A_35], %broadcast_in_dim3A_32 {strides = array<i32>} : memref<1x8x128xf32, #tpu.memory_space<vmem>>, vector<1x8x128xf32>,
    return
  }
  func.func @transform_0(%arg0: i32) -> (i32, i32, i32) {
    %c0_i32 = arith.constant 0 : i32
    %c0_i32_0 = arith.constant 0 : i32
    %c0_i32_1 = arith.constant 0 : i32
    return %arg0, %c0_i32, %c0_i32_0 : i32, i32, i32
  }
  func.func @transform_1(%arg0: i32) -> (i32, i32) {
    %c0_i32 = arith.constant 0 : i32
    %c0_i32_0 = arith.constant 0 : i32
    %c0_i32_1 = arith.constant 0 : i32
    return %c0_i32, %c0_i32_0 : i32, i32
  }
  func.func @transform_2(%arg0: i32) -> (i32, i32, i32) {
    %c0_i32 = arith.constant 0 : i32
    %c0_i32_0 = arith.constant 0 : i32
    %c0_i32_1 = arith.constant 0 : i32
    return %arg0, %c0_i32, %c0_i32_0 : i32, i32, i32
  }
  func.func @transform_3(%arg0: i32) -> (i32, i32, i32) {
    %c0_i32 = arith.constant 0 : i32
    %c0_i32_0 = arith.constant 0 : i32
    %c0_i32_1 = arith.constant 0 : i32
    return %arg0, %c0_i32, %c0_i32_0 : i32, i32, i32
  }
}

</mosaic_0001>

<sc_bundles>
// kernel: kernel.4.cloned.1.call-start
scs
__scs_entry_jumppad:
0x0: {  	(pc) =	sbr.rel $0x88, $3  }
0x1: {  	(tag) =	ssettag $0x0;
	lr =	simm.s32 $0x1  }
0x2: {  	[smem:$0x3F9F] =	sst lr;
	_ =	strace $0xD0000000  }
0x3: {  	_ = 	snop  }
0x4: {  	_ = 	snop  }
0x5: {  	_ = 	snop  }
0x6: {  	_ = 	snop  }
0x7: {  	_ = 	snop  }
__scs_overlays_trampoline_lowered:
0x8: {  	[smem:$0x3FAE] =	sst s0  }
0x9: {  	[smem:$0x3FAF] =	sst s1  }
0xa: {  	[smem:$0x3FB0] =	sst s2  }
0xb: {  	[smem:$0x3FB1] =	sst s3  }
0xc: {  	[smem:$0x3FB2] =	sst s4  }
0xd: {  	[smem:$0x3FB3] =	sst s5  }
0xe: {  	[smem:$0x3FB4] =	sst s6  }
0xf: {  	[smem:$0x3FB5] =	sst s7  }
0x10: {  	[smem:$0x3FB6] =	sst s8  }
0x11: {  	[smem:$0x3FB7] =	sst s9;
	s0 =	simm.s32 @!p0 $0x0  }
0x12: {  	s1 =	sld [smem:$0x3F9D];
	s0 =	simm.s32 @p0 $0x1  }
0x13: {  	[smem:$0x3FB8] =	sst s0;
	s0 =	simm.s32 @!p1 $0x0  }
0x14: {  	s2 =	sld [smem:$0x3F9C];
	s0 =	simm.s32 @p1 $0x1  }
0x15: {  	[smem:$0x3FB9] =	sst s0;
	s0 =	simm.s32 @!p2 $0x0  }
0x16: {  	s3 =	sld [smem:$0x3FDB];
	s0 =	simm.s32 @p2 $0x1  }
0x17: {  	s4 =	simm.s32 $0x1BF5;
	[smem:$0x3FBB] =	sst s0  }
0x18: {  	s0 =	sld [smem:$0x3F9E];
	_ =	swait.ge [sflag:s4], $0x0  }
0x19: {  	s7 =	sld [smem:$0x3F9F]  }
0x1a: {  	s8 =	sadd.s32 $0xFFFFE003, lr  }
0x1b: {  	s9 =	sadd.s32 $0xFFFFFEF7, lr;
	s5 =	simm.s32 $0xFFFFFFFF;
	p2 =	slt.u32 s8, $0xFFFFF086  }
0x1c: {  	p1 =	slt.u32 s9, $0xF7A;
	s5 =	simm.s32 @!p2 $0x0  }
0x1d: {  	s5 =	simm.s32 @p1 $0x1;
	p0 =	seq.s32 s7, s2  }
0x1e: {  	s7 =	smul.u32 @!p0 $0xF7A, s2;
	p2 =	seq.s32 @!p0 s5, $0x0  }
0x1f: {  	s9 =	smul.u32 $0xF7A, s1;
	s8 =	simm.s32 @!p0 $0x1BF5;
	p2 =	por !p2, p0  }
0x20: {  	[sflag:s8] =	ssyncset.s32 @!p0 $0xFFFFF086;
	s6 =	sadd.s32 @!p0 s3, s7;
	s7 =	simm.s32 @!p0 $0x108  }
0x21: {  	s3 =	sadd.s32 s3, s9;
	s6 =	sadd.s32 @!p0 $0x88, s6;
	s7 =	simm.s32 @p2 $0x1082  }
0x22: {  	[simem:s7], [sflag:s8] =	dma.local @!p0 [hbm:s6], $0xF7A  }
0x23: {  	s9 =	sor.u32 $0xD0000000, s2;
	s6 =	simm.s32 $0x108;
	_ =	swait.ge @!p0 [sflag:s8], $0x0  }
0x24: {  	s3 =	sadd.s32 $0x88, s3;
	s6 =	simm.s32 @!p1 $0x1082;
	[sflag:s4] =	ssyncset.s32 $0xFFFFF086  }
0x25: {  	[simem:s6], [sflag:s4] =	dma.local [hbm:s3], $0xF7A  }
0x26: {  	[smem:$0x3F9F] =	sst s1;
	(tag) =	ssettag s2;
	_ =	strace s9  }
0x27: {  	s1 =	sld [smem:$0x3FAF]  }
0x28: {  	s2 =	sld [smem:$0x3FB0]  }
0x29: {  	s4 =	sld [smem:$0x3FB2]  }
0x2a: {  	p0 =	seq.s32 s5, $0x0;
	s5 =	sld [smem:$0x3FB3]  }
0x2b: {  	s6 =	sld [smem:$0x3FB4]  }
0x2c: {  	s7 =	sld [smem:$0x3FB5]  }
0x2d: {  	s3 =	simm.s32 $0x108;
	s8 =	sld [smem:$0x3FB6]  }
0x2e: {  	s3 =	simm.s32 @!p0 $0x1082;
	s9 =	sld [smem:$0x3FB7]  }
0x2f: {  	lr =	sadd.s32 s0, s3;
	s0 =	sld [smem:$0x3FAE]  }
0x30: {  	s3 =	sld [smem:$0x3FB1]  }
0x31: {  	[smem:$0x3FBA] =	sst s10  }
0x32: {  	s10 =	sld [smem:$0x3FB8];
	_ =	sdelay $0x3  }
0x33: {  	p0 =	seq.s32 s10, $0x1;
	s10 =	sld [smem:$0x3FBA];
	_ =	sdelay $0x3  }
0x34: {  	[smem:$0x3FBA] =	sst s10  }
0x35: {  	s10 =	sld [smem:$0x3FB9];
	_ =	sdelay $0x3  }
0x36: {  	p1 =	seq.s32 s10, $0x1;
	s10 =	sld [smem:$0x3FBA];
	_ =	sdelay $0x3  }
0x37: {  	[smem:$0x3FBA] =	sst s10  }
0x38: {  	s10 =	sld [smem:$0x3FBB]  }
0x39: {  	_ = 	snop;
	(pc) =	sbr.ind lr, $3  }
0x3a: {  	_ = 	snop  }
0x3b: {  	_ = 	snop  }
0x3c: {  	p2 =	seq.s32 s10, $0x1;
	s10 =	sld [smem:$0x3FBA]  }
0x3d: {  	_ =	shalt  }
0x3e: {  	_ =	shalt  }
0x3f: {  	_ =	shalt  }
0x40: {  	_ =	shalt  }
0x41: {  	_ =	shalt  }
0x42: {  	_ =	shalt  }
0x43: {  	_ =	shalt  }
0x44: {  	_ =	shalt  }
0x45: {  	_ =	shalt  }
0x46: {  	_ =	shalt  }
0x47: {  	_ =	shalt  }
0x48: {  	_ =	shalt  }
0x49: {  	_ =	shalt  }
0x4a: {  	_ =	shalt  }
0x4b: {  	_ =	shalt  }
0x4c: {  	_ =	shalt  }
0x4d: {  	_ =	shalt  }
0x4e: {  	_ =	shalt  }
0x4f: {  	_ =	shalt  }
0x50: {  	_ =	shalt  }
0x51: {  	_ =	shalt  }
0x52: {  	_ =	shalt  }
0x53: {  	_ =	shalt  }
0x54: {  	_ =	shalt  }
0x55: {  	_ =	shalt  }
0x56: {  	_ =	shalt  }
0x57: {  	_ =	shalt  }
0x58: {  	_ =	shalt  }
0x59: {  	_ =	shalt  }
0x5a: {  	_ =	shalt  }
0x5b: {  	_ =	shalt  }
0x5c: {  	_ =	shalt  }
0x5d: {  	_ =	shalt  }
0x5e: {  	_ =	shalt  }
0x5f: {  	_ =	shalt  }
0x60: {  	_ =	shalt  }
0x61: {  	_ =	shalt  }
0x62: {  	_ =	shalt  }
0x63: {  	_ =	shalt  }
0x64: {  	_ =	shalt  }
0x65: {  	_ =	shalt  }
0x66: {  	_ =	shalt  }
0x67: {  	_ =	shalt  }
0x68: {  	_ =	shalt  }
0x69: {  	_ =	shalt  }
0x6a: {  	_ =	shalt  }
0x6b: {  	_ =	shalt  }
0x6c: {  	_ =	shalt  }
0x6d: {  	_ =	shalt  }
0x6e: {  	_ =	shalt  }
0x6f: {  	_ =	shalt  }
0x70: {  	_ =	shalt  }
0x71: {  	_ =	shalt  }
0x72: {  	_ =	shalt  }
0x73: {  	_ =	shalt  }
0x74: {  	_ =	shalt  }
0x75: {  	_ =	shalt  }
0x76: {  	_ =	shalt  }
0x77: {  	_ =	shalt  }
0x78: {  	_ =	shalt  }
0x79: {  	_ =	shalt  }
0x7a: {  	_ =	shalt  }
0x7b: {  	_ =	shalt  }
0x7c: {  	_ =	shalt  }
0x7d: {  	_ =	shalt  }
0x7e: {  	_ =	shalt  }
0x7f: {  	_ =	shalt  }
0x80: {  	_ =	shalt  }
0x81: {  	_ =	shalt  }
0x82: {  	_ =	shalt  }
0x83: {  	_ =	shalt  }
0x84: {  	_ =	shalt  }
0x85: {  	_ =	shalt  }
0x86: {  	_ =	shalt  }
0x87: {  	_ =	shalt  }
.Lfunc_end0:
.L_simem_size_0:
called_computation_lowered:
.L_overlay_start_0:
0x88: {  	s2 =	sld [smem:$0x3FD9]  }
0x89: {  	s3 =	sld [smem:$0x3FFE];
	_ =	sdelay $0x1  }
0x8a: {  	s1 =	srdreg.scid  }
0x8b: {  	s0 =	sand.u32 $0x1, s1  }
0x8c: {  	s14 =	sshll.u32 s0, $0xA;
	s2 =	sadd.s32 s3, s2  }
0x8d: {  	s2 =	sadd.s32 s2, s14  }
0x8e: {  	[smem:$0x3FC6] =	sst s2  }
0x8f: {  	_ = 	snop  }
0x90: {  	s2 =	sld [smem:$0x3FD0];
	_ =	sdelay $0x2  }
0x91: {  	s15 =	simm.s32 $0xA;
	s4 =	simm.s32 $0x10  }
0x92: {  	[smem:s4], [sflag:s15] =	dma.local [hbm:s2], $0x1  }
0x93: {  	_ =	swait.eq [sflag:s15], $0x1  }
0x94: {  	[sflag:s15] =	ssyncset.done $0x0  }
0x95: {  	[sflag:s15] =	ssyncadd.s32 $0xFFFFFFFF  }
0x96: {  	s16 =	sld [smem:$0x10];
	(tm) =	ssettm $0x1  }
0x97: {  	s17 =	sld [smem:$0x3FFB];
	_ =	sdelay $0x3  }
0x98: {  	_ =	strace s17  }
0x99: {  	s3 =	sld [smem:$0x3FFC];
	_ =	sdelay $0x3  }
0x9a: {  	_ =	strace s3  }
0x9b: {  	s3 =	sld [smem:$0x3FFD];
	_ =	sdelay $0x3  }
0x9c: {  	_ =	strace s3  }
0x9d: {  	_ =	strace $0x8FFFFFFF  }
0x9e: {  	s18 =	sld [smem:$0x3FDB];
	_ =	sdelay $0x1  }
0x9f: {  	s19 =	simm.s32 $_scs_section_size  }
0xa0: {  	s5 =	simm.s32 $_size__tile_overlayer_lowered;
	s6 =	simm.s32 $_tile_overlayer_lowered  }
0xa1: {  	s22 =	simm.s32 $0x1BFF;
	s21 =	sshll.u32 s6, $0x1;
	s3 =	sadd.s32 s19, s18  }
0xa2: {  	s7 =	simm.s32 $0x0;
	s20 =	sshll.u32 s5, $0x1;
	s5 =	sadd.s32 s21, s3  }
0xa3: {  	[timem:s7], [sflag:s22] =	dma.local [hbm:s5], s20  }
0xa4: {  	_ =	swait.ge [sflag:s22], s20  }
0xa5: {  	s4 =	ssub.s32 $0x0, s20;
	[sflag:s22] =	ssyncset.done $0x0  }
0xa6: {  	[sflag:s22] =	ssyncadd.s32 s4;
	_ =	sdelay $0x1  }
0xa7: {  	s23 =	simm.s32 $0x1B8B  }
0xa8: {  	_ =	swait.ge [sflag:s23], $0x1  }
0xa9: {  	[sflag:s23] =	ssyncset.done $0x0  }
0xaa: {  	s25 =	simm.s32 $0x1B8E;
	s24 =	sld [smem:$0x3FFE];
	[sflag:s23] =	ssyncadd.s32 $0xFFFFFFFF  }
0xab: {  	s26 =	simm.s32 $execute0_lowered;
	[smem:$0x3FD2] =	sst s25  }
0xac: {  	s5 =	sshll.u32 s26, $0x1;
	_ =	strace $0x80000046;
	[dreg:$0x1] =	wrdreg $0xFFFFFFFF  }
0xad: {  	s28 =	simm.s32 $_size_execute0_lowered;
	s3 =	sadd.s32 s3, s5;
	[dreg:$0x0] =	wrdreg $0x0  }
0xae: {  	s5 =	sshll.u32 s28, $0x1;
	[dreg:$0x2] =	wrdreg s3  }
0xaf: {  	[dreg:$0x3] =	wrdreg s5  }
0xb0: {  	[dreg:$0x4] =	wrdreg $0xC0  }
0xb1: {  	_ =	task [dreg:s7], $0x5FFFF  }
0xb2: {  	[dreg:$0x1] =	wrdreg $0xFFFFFFFF  }
0xb3: {  	[dreg:$0x0] =	wrdreg $0x60  }
0xb4: {  	[dreg:$0x2] =	wrdreg s16  }
0xb5: {  	[dreg:$0x3] =	wrdreg s24  }
0xb6: {  	[dreg:$0x4] =	wrdreg $0x9  }
0xb7: {  	_ =	task.clear_ibuf [dreg:s7], $0x5FFFF;
	_ =	strace $0x90000046  }
0xb8: {  	s29 =	simm.s32 $0x9;
	_ =	strace $0x80000048  }
0xb9: {  	_ =	swait.ge [sflag:s29], $0x1  }
0xba: {  	[sflag:s29] =	ssyncadd.s32 $0xFFFFFFFF  }
0xbb: {  	_ =	strace $0x90000048  }
0xbc: {  	_ =	sfence  }
0xbd: {  	s30 =	sld [smem:$0x0];
	_ =	sdelay $0x2  }
0xbe: {  	s31 =	sshll.u32 s1, $0xD;
	s1 =	sshrl.u32 s1, $0x2  }
0xbf: {  	s3 =	sand.u32 $0x4000, s31;
	s1 =	sadd.s32 s1, s30  }
0xc0: {  	s0 =	sor.u32 s3, s0;
	s1 =	sshll.u32 s1, $0x11  }
0xc1: {  	s0 =	sor.u32 s1, s0  }
0xc2: {  	s0 =	sadd.s32 $0x8F2B, s0  }
0xc3: {  	[sflag:s0] =	ssyncadd.remote.s32 $0x1  }
0xc4: {  	_ =	sfence.sel $0xFFFF  }
0xc5: {  	[dreg:$0x0] =	wrdreg $0xFFFFFFFF;
	(pc) =	sbr.abs _section_cstart, $3  }
0xc6: {  	[dreg:$0x1] =	wrdreg $0xFFFFFFFF  }
0xc7: {  	_ =	task.clear_ibuf [dreg:s7], $0x2FFFF;
	_ =	strace $0x9FFFFFFF  }
0xc8: {  	(tm) =	ssettm $0x7FFFFFFF  }
0xc9: {  	_ =	shalt  }
tec
execute0_lowered:
.L_overlay_start_1:
0x0: {  	(tag) =	ssettag $0x1  }
0x1: {  	s6 =	rddreg [dreg:$0x0]  }
0x2: {  	s5 =	rddreg [dreg:$0x1]  }
0x3: {  	s0 =	rddreg [dreg:$0x2]  }
0x4: {  	s2 =	simm.s32 $0x0;
	s3 =	srdreg.scid;
	s1 =	stileid.u32  }
0x5: {  	s10 =	simm.s32 $0x2400;
	s11 =	simm.s32 $0x0;
	[smem:$0x7FF] =	sst s2  }
0x6: {  	s3 =	sand.u32 $0x1, s3;
	s4 =	sshll.u32 s1, $0xE;
	_ =	strace $0x80000047  }
0x7: {  	s7 =	ssub.s32 $0x2, s3;
	s8 =	sshll.u32 s3, $0xD;
	s3 =	sadd.s32 $0xA00, s5  }
0x8: {  	s5 =	sadd.s32 $0x1200, s5;
	s9 =	sshrl.u32 s7, $0x1;
	s4 =	sor.u32 s8, s4  }
0x9: {  	s7 =	ssub.s32 s7, s9;
	s8 =	sshrl.u32 s4, $0x3;
	s9 =	simm.s32 $0x2000  }
0xa: {  	s6 =	sadd.s32 s6, s8;
	s7 =	smax.u32 s7, $0x1;
	s8 =	simm.s32 $0x1  }
.LBB2_1:
0xb: {  	[tilespmem:s2], [sflag:$0x1] =	stream.linear.gather [hbm4b:s6+s2], $0x2000, $0x38;
	[tilespmem:$0x4400] =	vst v63  }
0xc: {  	_ =	swait.ge [sflag:s8], $0x2000  }
0xd: {  	[sflag:s8] =	ssyncset.done $0x0  }
0xe: {  	s12 =	simm.s32 $0x0;
	[sflag:s8] =	ssyncadd.s32 $0xFFFFE000  }
.LBB2_2:
0xf: {  	s13 =	sshll.u32 s12, $0x7  }
0x10: {  	s13 =	sadd.s32 s3, s13  }
0x11: {  	[tilespmem:s9], [sflag:$0x1] =	stream.linear.gather [hbm4b:s13+s2], $0x400, $0x38;
	[tilespmem:$0x4400] =	vst v63  }
0x12: {  	_ =	swait.ge [sflag:s8], $0x400  }
0x13: {  	s14 =	simm.s32 $0x3400;
	[sflag:s8] =	ssyncset.done $0x0  }
0x14: {  	s15 =	simm.s32 $0x2040;
	s13 =	simm.s32 $0xFFFFFFF8;
	[sflag:s8] =	ssyncadd.s32 $0xFFFFFC00  }
.LBB2_3:
0x15: {  	v0 =	vld [tilespmem:s15+$0xFFFFFFC0];
	_ =	sdelay $0x7  }
0x16: {  	v1 =	vld.idx.msk [tilespmem:v0+s2+$0x0], $0xffff  }
0x17: {  	v2 =	vadd.s32 $0x400, v0;
	_ =	sdelay $0x3  }
0x18: {  	[tilespmem:s14+$0xFFFFF000] =	vst v1  }
0x19: {  	v1 =	vld.idx.msk [tilespmem:v2+s2+$0x0], $0xffff  }
0x1a: {  	v17 =	vadd.s32 $0x800, v0;
	_ =	sdelay $0x3  }
0x1b: {  	[tilespmem:s14+$0xFFFFF400] =	vst v1  }
0x1c: {  	v1 =	vld.idx.msk [tilespmem:v17+s2+$0x0], $0xffff  }
0x1d: {  	v18 =	vadd.s32 $0xC00, v0;
	_ =	sdelay $0x3  }
0x1e: {  	[tilespmem:s14+$0xFFFFF800] =	vst v1  }
0x1f: {  	v1 =	vld.idx.msk [tilespmem:v18+s2+$0x0], $0xffff  }
0x20: {  	v19 =	vadd.s32 $0x1000, v0;
	_ =	sdelay $0x3  }
0x21: {  	[tilespmem:s14+$0xFFFFFC00] =	vst v1  }
0x22: {  	v1 =	vld.idx.msk [tilespmem:v19+s2+$0x0], $0xffff  }
0x23: {  	v20 =	vadd.s32 $0x1400, v0;
	_ =	sdelay $0x3  }
0x24: {  	[tilespmem:s14+$0x0] =	vst v1  }
0x25: {  	v1 =	vld.idx.msk [tilespmem:v20+s2+$0x0], $0xffff  }
0x26: {  	v21 =	vadd.s32 $0x1800, v0;
	_ =	sdelay $0x3  }
0x27: {  	[tilespmem:s14+$0x400] =	vst v1  }
0x28: {  	v1 =	vld.idx.msk [tilespmem:v21+s2+$0x0], $0xffff  }
0x29: {  	v0 =	vadd.s32 $0x1C00, v0;
	_ =	sdelay $0x3  }
0x2a: {  	[tilespmem:s14+$0x800] =	vst v1  }
0x2b: {  	v0 =	vld.idx.msk [tilespmem:v0+s2+$0x0], $0xffff;
	_ =	sdelay $0x4  }
0x2c: {  	[tilespmem:s14+$0xC00] =	vst v0  }
0x2d: {  	v0 =	vld [tilespmem:s15+$0xFFFFFFD0];
	_ =	sdelay $0x7  }
0x2e: {  	v1 =	vld.idx.msk [tilespmem:v0+s2+$0x0], $0xffff  }
0x2f: {  	v22 =	vadd.s32 $0x400, v0;
	_ =	sdelay $0x3  }
0x30: {  	[tilespmem:s14+$0xFFFFF010] =	vst v1  }
0x31: {  	v1 =	vld.idx.msk [tilespmem:v22+s2+$0x0], $0xffff  }
0x32: {  	v23 =	vadd.s32 $0x800, v0;
	_ =	sdelay $0x3  }
0x33: {  	[tilespmem:s14+$0xFFFFF410] =	vst v1  }
0x34: {  	v1 =	vld.idx.msk [tilespmem:v23+s2+$0x0], $0xffff  }
0x35: {  	v24 =	vadd.s32 $0xC00, v0;
	_ =	sdelay $0x3  }
0x36: {  	[tilespmem:s14+$0xFFFFF810] =	vst v1  }
0x37: {  	v1 =	vld.idx.msk [tilespmem:v24+s2+$0x0], $0xffff  }
0x38: {  	v25 =	vadd.s32 $0x1000, v0;
	_ =	sdelay $0x3  }
0x39: {  	[tilespmem:s14+$0xFFFFFC10] =	vst v1  }
0x3a: {  	v1 =	vld.idx.msk [tilespmem:v25+s2+$0x0], $0xffff  }
0x3b: {  	v26 =	vadd.s32 $0x1400, v0;
	_ =	sdelay $0x3  }
0x3c: {  	[tilespmem:s14+$0x10] =	vst v1  }
0x3d: {  	v1 =	vld.idx.msk [tilespmem:v26+s2+$0x0], $0xffff  }
0x3e: {  	v27 =	vadd.s32 $0x1800, v0;
	_ =	sdelay $0x3  }
0x3f: {  	[tilespmem:s14+$0x410] =	vst v1  }
0x40: {  	v1 =	vld.idx.msk [tilespmem:v27+s2+$0x0], $0xffff  }
0x41: {  	v0 =	vadd.s32 $0x1C00, v0;
	_ =	sdelay $0x3  }
0x42: {  	[tilespmem:s14+$0x810] =	vst v1  }
0x43: {  	v0 =	vld.idx.msk [tilespmem:v0+s2+$0x0], $0xffff;
	_ =	sdelay $0x4  }
0x44: {  	[tilespmem:s14+$0xC10] =	vst v0  }
0x45: {  	v0 =	vld [tilespmem:s15+$0xFFFFFFE0];
	_ =	sdelay $0x7  }
0x46: {  	v1 =	vld.idx.msk [tilespmem:v0+s2+$0x0], $0xffff  }
0x47: {  	v28 =	vadd.s32 $0x400, v0;
	_ =	sdelay $0x3  }
0x48: {  	[tilespmem:s14+$0xFFFFF020] =	vst v1  }
0x49: {  	v1 =	vld.idx.msk [tilespmem:v28+s2+$0x0], $0xffff  }
0x4a: {  	v29 =	vadd.s32 $0x800, v0;
	_ =	sdelay $0x3  }
0x4b: {  	[tilespmem:s14+$0xFFFFF420] =	vst v1  }
0x4c: {  	v1 =	vld.idx.msk [tilespmem:v29+s2+$0x0], $0xffff  }
0x4d: {  	v30 =	vadd.s32 $0xC00, v0;
	_ =	sdelay $0x3  }
0x4e: {  	[tilespmem:s14+$0xFFFFF820] =	vst v1  }
0x4f: {  	v1 =	vld.idx.msk [tilespmem:v30+s2+$0x0], $0xffff  }
0x50: {  	v31 =	vadd.s32 $0x1000, v0;
	_ =	sdelay $0x3  }
0x51: {  	[tilespmem:s14+$0xFFFFFC20] =	vst v1  }
0x52: {  	v1 =	vld.idx.msk [tilespmem:v31+s2+$0x0], $0xffff  }
0x53: {  	v32 =	vadd.s32 $0x1400, v0;
	_ =	sdelay $0x3  }
0x54: {  	[tilespmem:s14+$0x20] =	vst v1  }
0x55: {  	v1 =	vld.idx.msk [tilespmem:v32+s2+$0x0], $0xffff  }
0x56: {  	v33 =	vadd.s32 $0x1800, v0;
	_ =	sdelay $0x3  }
0x57: {  	[tilespmem:s14+$0x420] =	vst v1  }
0x58: {  	v1 =	vld.idx.msk [tilespmem:v33+s2+$0x0], $0xffff  }
0x59: {  	v0 =	vadd.s32 $0x1C00, v0;
	_ =	sdelay $0x3  }
0x5a: {  	[tilespmem:s14+$0x820] =	vst v1  }
0x5b: {  	v0 =	vld.idx.msk [tilespmem:v0+s2+$0x0], $0xffff;
	_ =	sdelay $0x4  }
0x5c: {  	[tilespmem:s14+$0xC20] =	vst v0  }
0x5d: {  	v0 =	vld [tilespmem:s15+$0xFFFFFFF0];
	_ =	sdelay $0x7  }
0x5e: {  	v1 =	vld.idx.msk [tilespmem:v0+s2+$0x0], $0xffff  }
0x5f: {  	v34 =	vadd.s32 $0x400, v0;
	_ =	sdelay $0x3  }
0x60: {  	[tilespmem:s14+$0xFFFFF030] =	vst v1  }
0x61: {  	v1 =	vld.idx.msk [tilespmem:v34+s2+$0x0], $0xffff  }
0x62: {  	v35 =	vadd.s32 $0x800, v0;
	_ =	sdelay $0x3  }
0x63: {  	[tilespmem:s14+$0xFFFFF430] =	vst v1  }
0x64: {  	v1 =	vld.idx.msk [tilespmem:v35+s2+$0x0], $0xffff  }
0x65: {  	v36 =	vadd.s32 $0xC00, v0;
	_ =	sdelay $0x3  }
0x66: {  	[tilespmem:s14+$0xFFFFF830] =	vst v1  }
0x67: {  	v1 =	vld.idx.msk [tilespmem:v36+s2+$0x0], $0xffff  }
0x68: {  	v37 =	vadd.s32 $0x1000, v0;
	_ =	sdelay $0x3  }
0x69: {  	[tilespmem:s14+$0xFFFFFC30] =	vst v1  }
0x6a: {  	v1 =	vld.idx.msk [tilespmem:v37+s2+$0x0], $0xffff  }
0x6b: {  	v38 =	vadd.s32 $0x1400, v0;
	_ =	sdelay $0x3  }
0x6c: {  	[tilespmem:s14+$0x30] =	vst v1  }
0x6d: {  	v1 =	vld.idx.msk [tilespmem:v38+s2+$0x0], $0xffff  }
0x6e: {  	v39 =	vadd.s32 $0x1800, v0;
	_ =	sdelay $0x3  }
0x6f: {  	[tilespmem:s14+$0x430] =	vst v1  }
0x70: {  	v1 =	vld.idx.msk [tilespmem:v39+s2+$0x0], $0xffff  }
0x71: {  	v0 =	vadd.s32 $0x1C00, v0;
	_ =	sdelay $0x3  }
0x72: {  	[tilespmem:s14+$0x830] =	vst v1  }
0x73: {  	v0 =	vld.idx.msk [tilespmem:v0+s2+$0x0], $0xffff;
	_ =	sdelay $0x4  }
0x74: {  	[tilespmem:s14+$0xC30] =	vst v0  }
0x75: {  	v0 =	vld [tilespmem:s15+$0x0];
	_ =	sdelay $0x7  }
0x76: {  	v1 =	vld.idx.msk [tilespmem:v0+s2+$0x0], $0xffff  }
0x77: {  	v40 =	vadd.s32 $0x400, v0;
	_ =	sdelay $0x3  }
0x78: {  	[tilespmem:s14+$0xFFFFF040] =	vst v1  }
0x79: {  	v1 =	vld.idx.msk [tilespmem:v40+s2+$0x0], $0xffff  }
0x7a: {  	v41 =	vadd.s32 $0x800, v0;
	_ =	sdelay $0x3  }
0x7b: {  	[tilespmem:s14+$0xFFFFF440] =	vst v1  }
0x7c: {  	v1 =	vld.idx.msk [tilespmem:v41+s2+$0x0], $0xffff  }
0x7d: {  	v42 =	vadd.s32 $0xC00, v0;
	_ =	sdelay $0x3  }
0x7e: {  	[tilespmem:s14+$0xFFFFF840] =	vst v1  }
0x7f: {  	v1 =	vld.idx.msk [tilespmem:v42+s2+$0x0], $0xffff  }
0x80: {  	v43 =	vadd.s32 $0x1000, v0;
	_ =	sdelay $0x3  }
0x81: {  	[tilespmem:s14+$0xFFFFFC40] =	vst v1  }
0x82: {  	v1 =	vld.idx.msk [tilespmem:v43+s2+$0x0], $0xffff  }
0x83: {  	v44 =	vadd.s32 $0x1400, v0;
	_ =	sdelay $0x3  }
0x84: {  	[tilespmem:s14+$0x40] =	vst v1  }
0x85: {  	v1 =	vld.idx.msk [tilespmem:v44+s2+$0x0], $0xffff  }
0x86: {  	v45 =	vadd.s32 $0x1800, v0;
	_ =	sdelay $0x3  }
0x87: {  	[tilespmem:s14+$0x440] =	vst v1  }
0x88: {  	v1 =	vld.idx.msk [tilespmem:v45+s2+$0x0], $0xffff  }
0x89: {  	v0 =	vadd.s32 $0x1C00, v0;
	_ =	sdelay $0x3  }
0x8a: {  	[tilespmem:s14+$0x840] =	vst v1  }
0x8b: {  	v0 =	vld.idx.msk [tilespmem:v0+s2+$0x0], $0xffff;
	_ =	sdelay $0x4  }
0x8c: {  	[tilespmem:s14+$0xC40] =	vst v0  }
0x8d: {  	v0 =	vld [tilespmem:s15+$0x10];
	_ =	sdelay $0x7  }
0x8e: {  	v1 =	vld.idx.msk [tilespmem:v0+s2+$0x0], $0xffff  }
0x8f: {  	v46 =	vadd.s32 $0x400, v0;
	_ =	sdelay $0x3  }
0x90: {  	[tilespmem:s14+$0xFFFFF050] =	vst v1  }
0x91: {  	v1 =	vld.idx.msk [tilespmem:v46+s2+$0x0], $0xffff  }
0x92: {  	v47 =	vadd.s32 $0x800, v0;
	_ =	sdelay $0x3  }
0x93: {  	[tilespmem:s14+$0xFFFFF450] =	vst v1  }
0x94: {  	v1 =	vld.idx.msk [tilespmem:v47+s2+$0x0], $0xffff  }
0x95: {  	v48 =	vadd.s32 $0xC00, v0;
	_ =	sdelay $0x3  }
0x96: {  	[tilespmem:s14+$0xFFFFF850] =	vst v1  }
0x97: {  	v1 =	vld.idx.msk [tilespmem:v48+s2+$0x0], $0xffff  }
0x98: {  	v49 =	vadd.s32 $0x1000, v0;
	_ =	sdelay $0x3  }
0x99: {  	[tilespmem:s14+$0xFFFFFC50] =	vst v1  }
0x9a: {  	v1 =	vld.idx.msk [tilespmem:v49+s2+$0x0], $0xffff  }
0x9b: {  	v50 =	vadd.s32 $0x1400, v0;
	_ =	sdelay $0x3  }
0x9c: {  	[tilespmem:s14+$0x50] =	vst v1  }
0x9d: {  	v1 =	vld.idx.msk [tilespmem:v50+s2+$0x0], $0xffff  }
0x9e: {  	v51 =	vadd.s32 $0x1800, v0;
	_ =	sdelay $0x3  }
0x9f: {  	[tilespmem:s14+$0x450] =	vst v1  }
0xa0: {  	v1 =	vld.idx.msk [tilespmem:v51+s2+$0x0], $0xffff  }
0xa1: {  	v0 =	vadd.s32 $0x1C00, v0;
	_ =	sdelay $0x3  }
0xa2: {  	[tilespmem:s14+$0x850] =	vst v1  }
0xa3: {  	v0 =	vld.idx.msk [tilespmem:v0+s2+$0x0], $0xffff;
	_ =	sdelay $0x4  }
0xa4: {  	[tilespmem:s14+$0xC50] =	vst v0  }
0xa5: {  	v0 =	vld [tilespmem:s15+$0x20];
	_ =	sdelay $0x7  }
0xa6: {  	v1 =	vld.idx.msk [tilespmem:v0+s2+$0x0], $0xffff  }
0xa7: {  	v52 =	vadd.s32 $0x400, v0;
	_ =	sdelay $0x3  }
0xa8: {  	[tilespmem:s14+$0xFFFFF060] =	vst v1  }
0xa9: {  	v1 =	vld.idx.msk [tilespmem:v52+s2+$0x0], $0xffff  }
0xaa: {  	v53 =	vadd.s32 $0x800, v0;
	_ =	sdelay $0x3  }
0xab: {  	[tilespmem:s14+$0xFFFFF460] =	vst v1  }
0xac: {  	v1 =	vld.idx.msk [tilespmem:v53+s2+$0x0], $0xffff  }
0xad: {  	v54 =	vadd.s32 $0xC00, v0;
	_ =	sdelay $0x3  }
0xae: {  	[tilespmem:s14+$0xFFFFF860] =	vst v1  }
0xaf: {  	v1 =	vld.idx.msk [tilespmem:v54+s2+$0x0], $0xffff  }
0xb0: {  	v55 =	vadd.s32 $0x1000, v0;
	_ =	sdelay $0x3  }
0xb1: {  	[tilespmem:s14+$0xFFFFFC60] =	vst v1  }
0xb2: {  	v1 =	vld.idx.msk [tilespmem:v55+s2+$0x0], $0xffff  }
0xb3: {  	v56 =	vadd.s32 $0x1400, v0;
	_ =	sdelay $0x3  }
0xb4: {  	[tilespmem:s14+$0x60] =	vst v1  }
0xb5: {  	v1 =	vld.idx.msk [tilespmem:v56+s2+$0x0], $0xffff  }
0xb6: {  	v57 =	vadd.s32 $0x1800, v0;
	_ =	sdelay $0x3  }
0xb7: {  	[tilespmem:s14+$0x460] =	vst v1  }
0xb8: {  	v1 =	vld.idx.msk [tilespmem:v57+s2+$0x0], $0xffff  }
0xb9: {  	v0 =	vadd.s32 $0x1C00, v0;
	_ =	sdelay $0x3  }
0xba: {  	[tilespmem:s14+$0x860] =	vst v1  }
0xbb: {  	v0 =	vld.idx.msk [tilespmem:v0+s2+$0x0], $0xffff;
	_ =	sdelay $0x4  }
0xbc: {  	[tilespmem:s14+$0xC60] =	vst v0  }
0xbd: {  	v0 =	vld [tilespmem:s15+$0x30];
	_ =	sdelay $0x7  }
0xbe: {  	v1 =	vld.idx.msk [tilespmem:v0+s2+$0x0], $0xffff  }
0xbf: {  	v58 =	vadd.s32 $0x400, v0;
	_ =	sdelay $0x3  }
0xc0: {  	[tilespmem:s14+$0xFFFFF070] =	vst v1  }
0xc1: {  	v1 =	vld.idx.msk [tilespmem:v58+s2+$0x0], $0xffff  }
0xc2: {  	v59 =	vadd.s32 $0x800, v0;
	_ =	sdelay $0x3  }
0xc3: {  	[tilespmem:s14+$0xFFFFF470] =	vst v1  }
0xc4: {  	v1 =	vld.idx.msk [tilespmem:v59+s2+$0x0], $0xffff  }
0xc5: {  	v60 =	vadd.s32 $0xC00, v0;
	_ =	sdelay $0x3  }
0xc6: {  	[tilespmem:s14+$0xFFFFF870] =	vst v1  }
0xc7: {  	v1 =	vld.idx.msk [tilespmem:v60+s2+$0x0], $0xffff  }
0xc8: {  	v61 =	vadd.s32 $0x1000, v0;
	_ =	sdelay $0x3  }
0xc9: {  	[tilespmem:s14+$0xFFFFFC70] =	vst v1  }
0xca: {  	v1 =	vld.idx.msk [tilespmem:v61+s2+$0x0], $0xffff  }
0xcb: {  	v62 =	vadd.s32 $0x1400, v0;
	_ =	sdelay $0x3  }
0xcc: {  	[tilespmem:s14+$0x70] =	vst v1  }
0xcd: {  	v1 =	vld.idx.msk [tilespmem:v62+s2+$0x0], $0xffff  }
0xce: {  	v63 =	vadd.s32 $0x1800, v0;
	_ =	sdelay $0x3  }
0xcf: {  	[tilespmem:s14+$0x470] =	vst v1  }
0xd0: {  	v1 =	vld.idx.msk [tilespmem:v63+s2+$0x0], $0xffff  }
0xd1: {  	v0 =	vadd.s32 $0x1C00, v0;
	_ =	sdelay $0x3  }
0xd2: {  	s13 =	sadd.s32 $0x8, s13;
	[tilespmem:s14+$0x870] =	vst v1  }
0xd3: {  	p0 =	slt.u32 s13, $0x38;
	v0 =	vld.idx.msk [tilespmem:v0+s2+$0x0], $0xffff  }
.Ltmp0:
0xd4: {  	_ = 	snop;
	(pc) =	sbr.rel @p0 .LBB2_3-.Ltmp0, $2  }
0xd5: {  	_ =	sdelay $0x2  }
0xd6: {  	s15 =	sadd.s32 $0x80, s15;
	[tilespmem:s14+$0xC70] =	vst v0;
	s14 =	sadd.s32 $0x80, s14  }
0xd7: {  	s13 =	sshll.u32 s12, $0x12  }
0xd8: {  	s12 =	sadd.s32 $0x1, s12;
	s13 =	sor.u32 s4, s13  }
0xd9: {  	p0 =	sne.s32 s12, $0x10;
	s13 =	sshrl.u32 s13, $0x3  }
.Ltmp1:
0xda: {  	s13 =	sadd.s32 s5, s13;
	(pc) =	sbr.rel @p0 .LBB2_2-.Ltmp1, $4  }
0xdb: {  	[hbm4b:s13+s2] =	stream.linear.scatter [tilespmem:s10], [sflag:$0x1], $0x2000, $0x38;
	[tilespmem:$0x4400] =	vst v63  }
0xdc: {  	_ =	swait.ge [sflag:s8], $0x2000  }
0xdd: {  	[sflag:s8] =	ssyncset.done $0x0  }
0xde: {  	[sflag:s8] =	ssyncadd.s32 $0xFFFFE000  }
0xdf: {  	s11 =	sadd.s32 $0x1, s11  }
0xe0: {  	p0 =	sne.s32 s11, s7  }
.Ltmp2:
0xe1: {  	_ = 	snop;
	(pc) =	sbr.rel @p0 .LBB2_1-.Ltmp2, $1  }
0xe2: {  	_ =	sdelay $0x3  }
0xe3: {  	_ =	sfence.sel $0x180000  }
0xe4: {  	[bflag:$0x0] =	sbarrier.arrive $0xFFFF  }
0xe5: {  	p0 =	sne.s32 s1, $0x0;
	_ =	strace $0x90000047  }
0xe6: {  	s0 =	sadd.s32 @!p0 $0x100000, s0;
	[bflag:$0x2] =	sbarrier.arrive $0xFFFF  }
0xe7: {  	[sflag:s0] =	ssyncadd.tile.s32 @!p0 $0x1;
	_ =	shalt  }
.Lfunc_end2:
_tile_overlayer_lowered:
.L_overlay_start_2:
0xe8: {  	(tag) =	ssettag $0x2  }
0xe9: {  	s0 =	rddreg [dreg:$0x0];
	s2 =	stileid.u32  }
0xea: {  	s1 =	rddreg [dreg:$0x1];
	p0 =	sne.s32 s2, $0x0  }
0xeb: {  	s3 =	rddreg [dreg:$0x2];
	[bflag:$0x3] =	sbarrier.arrive $0xFFFF;
	s2 =	simm.s32 @!p0 $0x1C01  }
0xec: {  	[timem:s3], [sflag:s2] =	dma.local @!p0 [hbm:s0], s1  }
0xed: {  	s0 =	simm.s32 @!p0 $0x1  }
0xee: {  	_ =	swait.ge @!p0 [sflag:s0], s1  }
0xef: {  	s1 =	ssub.s32 @!p0 $0x0, s1;
	[sflag:s0] =	ssyncset.done @!p0 $0x0  }
0xf0: {  	[sflag:s0] =	ssyncadd.s32 @!p0 s1  }
0xf1: {  	[bflag:$0x3] =	sbarrier.arrive $0xFFFF  }
0xf2: {  	_ =	shalt  }

</sc_bundles>
